<compile_context>
chip_gen: v7x
topology: tpu7x:2x2x1
jax: 0.10.2.dev20260603
libtpu: 0.0.44.dev20260713+nightly
codegen_flags: <defaults>
</compile_context>

<pallas_src>
import functools

import jax
import jax.numpy as jnp
from jax import lax
from jax.experimental import pallas as pl
from jax.experimental.pallas import tpu as pltpu
from jax.experimental.pallas import tpu_sc as plsc

F = 128
NUM_MESSAGES = 3
ATOM_CLASSES = 64
BOND_CLASSES = 32
NUM_MOLS = 13
B = 2
T = 2
NT = NUM_MOLS + 1
G = T * B
N_ATOMS = 512
N_BONDS = 1024

f32 = jnp.float32
bf16 = jnp.bfloat16
DG0 = (((0,), (0,)), ((), ()))

_BLK_NAMES = ('Wgu1', 'bgu1', 'Wgu2', 'bgu2', 'We1', 'be1', 'We2', 'be2',
              'Wn1', 'bn1', 'Wn2', 'bn2', 'Wnp1', 'bnp1', 'Wnp2', 'bnp2')


def _sc_gather(table, idx):
    n = idx.shape[0]
    d = table.shape[1]
    info = plsc.get_sparse_core_info()
    nc, ns = info.num_cores, info.num_subcores
    nw = nc * ns
    b_per_w = n // nw
    mesh = plsc.VectorSubcoreMesh(core_axis_name="c", subcore_axis_name="s")
    ch = 112
    assert b_per_w % ch == 0

    @functools.partial(
        pl.kernel, mesh=mesh,
        out_type=jax.ShapeDtypeStruct((n, d), jnp.float32),
        scratch_types=[
            pltpu.VMEM((b_per_w,), jnp.int32),
            pltpu.VMEM((b_per_w, d), jnp.float32),
            pltpu.SemaphoreType.DMA,
        ],
    )
    def k(table_hbm, idx_hbm, out_hbm, idx_v, rows_v, sem):
        wid = lax.axis_index("s") * nc + lax.axis_index("c")
        base = wid * b_per_w
        pltpu.sync_copy(idx_hbm.at[pl.ds(base, b_per_w)], idx_v)
        copies = [
            pltpu.async_copy(table_hbm.at[idx_v.at[pl.ds(j * ch, ch)]],
                             rows_v.at[pl.ds(j * ch, ch)], sem)
            for j in range(b_per_w // ch)
        ]
        for c in copies:
            c.wait()
        pltpu.sync_copy(rows_v, out_hbm.at[pl.ds(base, b_per_w)])

    return k(table, idx)


def _hilo_cols(a):
    hi = a.astype(bf16)
    lo = (a - hi.astype(f32)).astype(bf16)
    return jnp.concatenate([hi, lo], axis=1)


def _dot(a, b):
    return jnp.dot(a, b, preferred_element_type=f32)


def _halves(x):
    return x[:, 0:F] + x[:, F:2 * F]


def _tower_body(*refs):
    (ainit_ref, binit_ref, conn0_ref, conn1_ref, mf_ref, x_ref,
     wg0_ref, bg0_ref) = refs[:8]
    blk = [dict(zip(_BLK_NAMES, refs[8 + 16 * i:8 + 16 * (i + 1)]))
           for i in range(NUM_MESSAGES)]
    wp_ref, bp_ref, out_ref, acc_ref = refs[56], refs[57], refs[58], refs[59]

    m = pl.program_id(0)

    @pl.when(m == 0)
    def _init():
        acc_ref[...] = jnp.zeros_like(acc_ref)

    E2 = 2 * N_BONDS

    iota_g = lax.broadcasted_iota(jnp.int32, (N_ATOMS, E2), 0)

    ohg = []
    for t in range(T):
        for b in range(B):
            c0_row = conn0_ref[t, b:b + 1, :]
            c1_row = conn1_ref[t, b:b + 1, :]
            conn_cat = jnp.concatenate([c1_row, c0_row], axis=1)
            ohg.append((conn_cat == iota_g).astype(bf16))

    atom_state = ainit_ref[...]
    bond_state = binit_ref[...]

    mf = mf_ref[...].reshape(G, 2)
    gs = jax.nn.relu(_dot(mf, wg0_ref[...]) + bg0_ref[...])

    for i in range(NUM_MESSAGES):
        bk = blk[i]
        g = jnp.concatenate(
            [jnp.mean(atom_state[k * N_ATOMS:(k + 1) * N_ATOMS], axis=0,
                      keepdims=True) for k in range(G)], axis=0)
        g = jax.nn.relu(_dot(g, bk['Wgu1'][...]) + bk['bgu1'][...])
        g = _dot(g, bk['Wgu2'][...]) + bk['bgu2'][...]
        gs = gs + g

        a_hl = _hilo_cols(atom_state)
        srcs, tgts = [], []
        for k in range(G):
            st = _halves(lax.dot_general(
                ohg[k], a_hl[k * N_ATOMS:(k + 1) * N_ATOMS], DG0,
                preferred_element_type=f32))
            srcs.append(st[0:N_BONDS])
            tgts.append(st[N_BONDS:])
        src = jnp.concatenate(srcs, axis=0)
        tgt = jnp.concatenate(tgts, axis=0)

        we1 = bk['We1']
        gterm_e = _dot(gs, we1[3 * F:4 * F]) + bk['be1'][...]
        gterm_e = jnp.broadcast_to(
            gterm_e[:, None, :], (G, N_BONDS, 2 * F)).reshape(G * N_BONDS,
                                                              2 * F)
        h = jax.nn.relu(_dot(bond_state, we1[0:F])
                        + _dot(src, we1[F:2 * F])
                        + _dot(tgt, we1[2 * F:3 * F])
                        + gterm_e)
        bond_state = bond_state + _dot(h, bk['We2'][...]) + bk['be2'][...]

        wn1 = bk['Wn1']
        gterm_n = _dot(gs, wn1[2 * F:3 * F]) + bk['bn1'][...]
        gterm_n = jnp.broadcast_to(
            gterm_n[:, None, :], (G, N_BONDS, 2 * F)).reshape(G * N_BONDS,
                                                              2 * F)
        hm = jax.nn.relu(_dot(src, wn1[0:F])
                         + _dot(bond_state, wn1[F:2 * F])
                         + gterm_n)
        messages = _dot(hm, bk['Wn2'][...]) + bk['bn2'][...]

        m_hl = _hilo_cols(messages)
        reds = []
        for k in range(G):
            mb = m_hl[k * N_BONDS:(k + 1) * N_BONDS]
            reds.append(_halves(_dot(ohg[k][:, N_BONDS:], mb)))
        reduced = jnp.concatenate(reds, axis=0)

        na = _dot(jax.nn.relu(_dot(reduced, bk['Wnp1'][...]) + bk['bnp1'][...]),
                  bk['Wnp2'][...]) + bk['bnp2'][...]
        atom_state = atom_state + na

    pred = _dot(gs, wp_ref[...]) + bp_ref[...]
    xcol = jnp.concatenate(
        [jnp.full((1, 1), x_ref[b, T * m + t], f32)
         for t in range(T) for b in range(B)], axis=0)
    acc_ref[...] = acc_ref[...] + xcol * pred

    @pl.when(m == NT // T - 1)
    def _fin():
        a = acc_ref[...]
        ab = a[0:B] + a[B:2 * B]
        out_ref[...] = ab[:, 0:1] * ab[:, 2:3] + ab[:, 1:2] * ab[:, 3:4]


def kernel(atoms, bonds, connectivity, mol_features, X, params):
    blocks = params['blocks']

    def pad(x):
        return jnp.concatenate([x, x[:1]], axis=0)

    conn0 = pad(connectivity[..., 0])
    conn1 = pad(connectivity[..., 1])
    Xp = jnp.concatenate([X, jnp.zeros((B, 1), f32)], axis=1)

    atom_init = _sc_gather(params['atom_emb'], pad(atoms).reshape(-1))
    bond_init = _sc_gather(params['bond_emb'], pad(bonds).reshape(-1))

    inputs = [
        atom_init, bond_init, conn0, conn1, pad(mol_features), Xp,
        params['Wg0'], params['bg0'].reshape(1, F),
    ]
    for blk in blocks:
        for name in _BLK_NAMES:
            w = blk[name]
            inputs.append(w.reshape(1, -1) if w.ndim == 1 else w)
    inputs += [params['Wp'], params['bp'].reshape(1, 4)]

    def bspec(shape, blocked_lead=False):
        if blocked_lead:
            blk_shape = (T,) + shape[1:]
            return pl.BlockSpec(blk_shape,
                                lambda m: (m,) + (0,) * (len(shape) - 1))
        return pl.BlockSpec(shape, lambda m: (0,) * len(shape))

    in_specs = [
        pl.BlockSpec((G * N_ATOMS, F), lambda m: (m, 0)),
        pl.BlockSpec((G * N_BONDS, F), lambda m: (m, 0)),
        bspec(conn0.shape, True), bspec(conn1.shape, True),
        bspec(inputs[4].shape, True),
        pl.BlockSpec(memory_space=pltpu.SMEM),
    ] + [bspec(x.shape) for x in inputs[6:]]

    out = pl.pallas_call(
        _tower_body,
        grid=(NT // T,),
        in_specs=in_specs,
        out_specs=pl.BlockSpec((B, 1), lambda m: (0, 0)),
        out_shape=jax.ShapeDtypeStruct((B, 1), jnp.float32),
        scratch_shapes=[pltpu.VMEM((G, 4), jnp.float32)],
    )(*inputs)
    return out.reshape(B)

# --- scband reference (transcript-rebuilt; emitter-appended) ---
"""Pipeline reference for scband-cn-blend-model-61375082660212 (READ-ONLY COPY).

The authoritative reference and input builder live on the scoring server;
editing this copy changes nothing except your own understanding.
"""

import jax, jax.numpy as jnp
import numpy as np

FEATURES_DIM = 128
NUM_MESSAGES = 3
ATOM_CLASSES = 64
BOND_CLASSES = 32
NUM_MOLS = 13
B = 2
N_ATOMS = 512
N_BONDS = 1024


def _dense(key, fan_in, fan_out):
    k1, k2 = jax.random.split(key)
    w = jax.random.normal(k1, (fan_in, fan_out), dtype=jnp.float32) / np.sqrt(fan_in)
    b = jnp.zeros((fan_out,), dtype=jnp.float32)
    return w, b


def make_params(key):
    F = FEATURES_DIM
    keys = jax.random.split(key, 4 + NUM_MESSAGES)
    params = {}
    params['atom_emb'] = jax.random.normal(keys[0], (ATOM_CLASSES, F), dtype=jnp.float32) * 0.05
    params['bond_emb'] = jax.random.normal(keys[1], (BOND_CLASSES, F), dtype=jnp.float32) * 0.05
    params['Wg0'], params['bg0'] = _dense(keys[2], 2, F)
    blocks = []
    for i in range(NUM_MESSAGES):
        bk = jax.random.split(keys[3 + i], 8)
        blk = {}
        blk['Wgu1'], blk['bgu1'] = _dense(bk[0], F, F)
        blk['Wgu2'], blk['bgu2'] = _dense(bk[1], F, F)
        blk['We1'], blk['be1'] = _dense(bk[2], 4 * F, 2 * F)
        blk['We2'], blk['be2'] = _dense(bk[3], 2 * F, F)
        blk['Wn1'], blk['bn1'] = _dense(bk[4], 3 * F, 2 * F)
        blk['Wn2'], blk['bn2'] = _dense(bk[5], 2 * F, F)
        blk['Wnp1'], blk['bnp1'] = _dense(bk[6], F, 2 * F)
        blk['Wnp2'], blk['bnp2'] = _dense(bk[7], 2 * F, F)
        blocks.append(blk)
    params['blocks'] = blocks
    params['Wp'], params['bp'] = _dense(keys[3 + NUM_MESSAGES], F, 4)
    return params


def setup_inputs(seed: int = 0):
    key = jax.random.key(seed)
    ks = jax.random.split(key, 6)
    atoms = jax.random.randint(ks[0], (NUM_MOLS, B, N_ATOMS), 0, ATOM_CLASSES, dtype=jnp.int32)
    bonds = jax.random.randint(ks[1], (NUM_MOLS, B, N_BONDS), 0, BOND_CLASSES, dtype=jnp.int32)
    connectivity = jax.random.randint(ks[2], (NUM_MOLS, B, N_BONDS, 2), 0, N_ATOMS, dtype=jnp.int32)
    mol_features = jax.random.normal(ks[3], (NUM_MOLS, B, 2), dtype=jnp.float32)
    X = jax.random.normal(ks[4], (B, NUM_MOLS), dtype=jnp.float32)
    params = make_params(ks[5])
    return {"atoms": atoms, "bonds": bonds, "connectivity": connectivity,
            "mol_features": mol_features, "X": X, "params": params}


def _gather(atom_state, idx):
    # batched gather: atom_state [B,N,F], idx [B,E] -> [B,E,F]
    return jax.vmap(lambda a, i: a[i])(atom_state, idx)


def _gnn(atom_idx, bond_idx, conn, mol_feat, params):
    # one shared-weight GNN tower (nfp-style message passing with global state)
    atom_state = params['atom_emb'][atom_idx]          # [B,N,F] embedding gather
    bond_state = params['bond_emb'][bond_idx]          # [B,E,F]
    global_state = jax.nn.relu(mol_feat @ params['Wg0'] + params['bg0'])  # [B,F]
    n_atoms = atom_state.shape[1]
    for blk in params['blocks']:
        # global state update (GlobalAveragePooling1D + 2 dense, residual)
        g = jnp.mean(atom_state, axis=1)
        g = jax.nn.relu(g @ blk['Wgu1'] + blk['bgu1'])
        g = g @ blk['Wgu2'] + blk['bgu2']
        global_state = global_state + g
        glob_b = jnp.broadcast_to(global_state[:, None, :], bond_state.shape)
        # EdgeUpdate: gather endpoints, ConcatDense, residual
        src = _gather(atom_state, conn[:, :, 1])
        tgt = _gather(atom_state, conn[:, :, 0])
        eb = jnp.concatenate([bond_state, src, tgt, glob_b], axis=-1)
        new_bond = jax.nn.relu(eb @ blk['We1'] + blk['be1']) @ blk['We2'] + blk['be2']
        bond_state = bond_state + new_bond
        # NodeUpdate: gather source, ConcatDense messages, segment-sum scatter, 2 dense, residual
        src2 = _gather(atom_state, conn[:, :, 1])
        nb = jnp.concatenate([src2, bond_state, glob_b], axis=-1)
        messages = jax.nn.relu(nb @ blk['Wn1'] + blk['bn1']) @ blk['Wn2'] + blk['bn2']
        reduced = jax.vmap(lambda m, s: jax.ops.segment_sum(m, s, num_segments=n_atoms))(messages, conn[:, :, 0])
        new_atom = jax.nn.relu(reduced @ blk['Wnp1'] + blk['bnp1']) @ blk['Wnp2'] + blk['bnp2']
        atom_state = atom_state + new_atom
    return global_state @ params['Wp'] + params['bp']  # [B,4]


def reference(atoms, bonds, connectivity, mol_features, X, params):
    preds = [_gnn(atoms[i], bonds[i], connectivity[i], mol_features[i], params) for i in range(NUM_MOLS)]
    UV = jnp.stack(preds, axis=0)                      # [13,B,4]
    U, V = jnp.split(UV, 2, axis=-1)                   # each [13,B,2]
    U = jnp.transpose(U, (1, 0, 2))                    # [B,13,2]
    V = jnp.transpose(V, (1, 0, 2))                    # [B,13,2]
    W = jnp.matmul(U, jnp.swapaxes(V, -1, -2))         # [B,13,13]
    XW = jnp.matmul(X[:, None, :], W)                  # [B,1,13]
    CNs = jnp.sum(X * jnp.squeeze(XW, axis=1), axis=-1)  # [B]
    return CNs

if __name__ == "__main__":
    import jax
    _d = setup_inputs()
    print(jax.jit(kernel)(*tuple(_d.values())))

</pallas_src>

<mosaic_0001>
#map = affine_map<(d0, d1) -> (0, 0)>
#map1 = affine_map<(d0, d1) -> (0)>
module attributes {stable_mosaic.version = 14 : i64} {
  func.func @k(%arg0: i32, %arg1: i32, %arg2: memref<32x128xf32, #tpu.memory_space<hbm>>, %arg3: memref<28672xi32, #tpu.memory_space<hbm>>, %arg4: memref<28672x128xf32, #tpu.memory_space<hbm>>, %arg5: memref<896xi32, #tpu.memory_space<vmem>>, %arg6: memref<896x128xf32, #tpu.memory_space<vmem>>, %arg7: memref<!tpu.dma_semaphore, #tpu.memory_space<semaphore_mem>>) attributes {dimension_semantics = [#tpu.dimension_semantics<core_parallel>, #tpu.dimension_semantics<subcore_parallel>], iteration_bounds = array<i64: 2, 16>, scalar_prefetch = 0 : i64, scratch_operands = 3 : i64, tpu.core_type = #tpu.core_type<sc_vector_subcore>, window_params = [{transform_indices = #map}, {transform_indices = #map1}, {transform_indices = #map}]} {
    %mul3A = arith.constant 2 : i32
    %mul3A_0 = arith.muli %arg1, %mul3A : i32
    %add3A = arith.addi %mul3A_0, %arg0 : i32
    %mul3A_1 = arith.constant 896 : i32
    %mul3A_2 = arith.muli %add3A, %mul3A_1 : i32
    "tpu.region"() ({
      %run_scoped3A = tpu.sem_alloc : memref<!tpu.dma_semaphore, #tpu.memory_space<semaphore_mem>>
      %dma_start3A_129 = tpu.memref_slice %arg3[%mul3A_2] : memref<28672xi32, #tpu.memory_space<hbm>> -> memref<896xi32, #tpu.memory_space<hbm>>
      %dma_start3A_130 = tpu.memref_slice %arg3[%mul3A_2] : memref<28672xi32, #tpu.memory_space<hbm>> -> memref<896xi32, #tpu.memory_space<hbm>>
      tpu.enqueue_dma source(%dma_start3A_130 : memref<896xi32, #tpu.memory_space<hbm>>) target(%arg5 : memref<896xi32, #tpu.memory_space<vmem>>) target_semaphore(%run_scoped3A : memref<!tpu.dma_semaphore, #tpu.memory_space<semaphore_mem>>)
      %dma_wait3A_131 = tpu.memref_slice %arg3[%mul3A_2] : memref<28672xi32, #tpu.memory_space<hbm>> -> memref<896xi32, #tpu.memory_space<hbm>>
      %dma_wait3A_132 = tpu.memref_slice %arg3[%mul3A_2] : memref<28672xi32, #tpu.memory_space<hbm>> -> memref<896xi32, #tpu.memory_space<hbm>>
      tpu.wait_dma2 semaphore(%run_scoped3A : memref<!tpu.dma_semaphore, #tpu.memory_space<semaphore_mem>>) src(%dma_wait3A_132 : memref<896xi32, #tpu.memory_space<hbm>>) dst(%arg5 : memref<896xi32, #tpu.memory_space<vmem>>)
      tpu.yield
    }) : () -> ()
    %dma_start3A = arith.constant 0 : i32
    %dma_start3A_3 = arith.constant 0 : i32
    %dma_start3A_4 = tpu.memref_slice %arg6[%dma_start3A, %dma_start3A_3] : memref<896x128xf32, #tpu.memory_space<vmem>> -> memref<112x128xf32, #tpu.memory_space<vmem>>
    %dma_start3A_5 = arith.constant 0 : i32
    %dma_start3A_6 = tpu.memref_slice %arg5[%dma_start3A_5] : memref<896xi32, #tpu.memory_space<vmem>> -> memref<112xi32, #tpu.memory_space<vmem>>
    %dma_start3A_7 = arith.constant 0 : i32
    %dma_start3A_8 = arith.constant 0 : i32
    %dma_start3A_9 = tpu.memref_slice %arg2[%dma_start3A_7, %dma_start3A_8] : memref<32x128xf32, #tpu.memory_space<hbm>> -> memref<32x128xf32, #tpu.memory_space<hbm>>
    tpu.enqueue_indirect_dma source(%dma_start3A_9 : memref<32x128xf32, #tpu.memory_space<hbm>>) target(%dma_start3A_4 : memref<112x128xf32, #tpu.memory_space<vmem>>) offsets(%dma_start3A_6 : memref<112xi32, #tpu.memory_space<vmem>>) semaphore(%arg7 : memref<!tpu.dma_semaphore, #tpu.memory_space<semaphore_mem>>)
    %dma_start3A_10 = arith.constant 112 : i32
    %dma_start3A_11 = arith.constant 0 : i32
    %dma_start3A_12 = tpu.memref_slice %arg6[%dma_start3A_10, %dma_start3A_11] : memref<896x128xf32, #tpu.memory_space<vmem>> -> memref<112x128xf32, #tpu.memory_space<vmem>>
    %dma_start3A_13 = arith.constant 112 : i32
    %dma_start3A_14 = tpu.memref_slice %arg5[%dma_start3A_13] : memref<896xi32, #tpu.memory_space<vmem>> -> memref<112xi32, #tpu.memory_space<vmem>>
    %dma_start3A_15 = arith.constant 0 : i32
    %dma_start3A_16 = arith.constant 0 : i32
    %dma_start3A_17 = tpu.memref_slice %arg2[%dma_start3A_15, %dma_start3A_16] : memref<32x128xf32, #tpu.memory_space<hbm>> -> memref<32x128xf32, #tpu.memory_space<hbm>>
    tpu.enqueue_indirect_dma source(%dma_start3A_17 : memref<32x128xf32, #tpu.memory_space<hbm>>) target(%dma_start3A_12 : memref<112x128xf32, #tpu.memory_space<vmem>>) offsets(%dma_start3A_14 : memref<112xi32, #tpu.memory_space<vmem>>) semaphore(%arg7 : memref<!tpu.dma_semaphore, #tpu.memory_space<semaphore_mem>>)
    %dma_start3A_18 = arith.constant 224 : i32
    %dma_start3A_19 = arith.constant 0 : i32
    %dma_start3A_20 = tpu.memref_slice %arg6[%dma_start3A_18, %dma_start3A_19] : memref<896x128xf32, #tpu.memory_space<vmem>> -> memref<112x128xf32, #tpu.memory_space<vmem>>
    %dma_start3A_21 = arith.constant 224 : i32
    %dma_start3A_22 = tpu.memref_slice %arg5[%dma_start3A_21] : memref<896xi32, #tpu.memory_space<vmem>> -> memref<112xi32, #tpu.memory_space<vmem>>
    %dma_start3A_23 = arith.constant 0 : i32
    %dma_start3A_24 = arith.constant 0 : i32
    %dma_start3A_25 = tpu.memref_slice %arg2[%dma_start3A_23, %dma_start3A_24] : memref<32x128xf32, #tpu.memory_space<hbm>> -> memref<32x128xf32, #tpu.memory_space<hbm>>
    tpu.enqueue_indirect_dma source(%dma_start3A_25 : memref<32x128xf32, #tpu.memory_space<hbm>>) target(%dma_start3A_20 : memref<112x128xf32, #tpu.memory_space<vmem>>) offsets(%dma_start3A_22 : memref<112xi32, #tpu.memory_space<vmem>>) semaphore(%arg7 : memref<!tpu.dma_semaphore, #tpu.memory_space<semaphore_mem>>)
    %dma_start3A_26 = arith.constant 336 : i32
    %dma_start3A_27 = arith.constant 0 : i32
    %dma_start3A_28 = tpu.memref_slice %arg6[%dma_start3A_26, %dma_start3A_27] : memref<896x128xf32, #tpu.memory_space<vmem>> -> memref<112x128xf32, #tpu.memory_space<vmem>>
    %dma_start3A_29 = arith.constant 336 : i32
    %dma_start3A_30 = tpu.memref_slice %arg5[%dma_start3A_29] : memref<896xi32, #tpu.memory_space<vmem>> -> memref<112xi32, #tpu.memory_space<vmem>>
    %dma_start3A_31 = arith.constant 0 : i32
    %dma_start3A_32 = arith.constant 0 : i32
    %dma_start3A_33 = tpu.memref_slice %arg2[%dma_start3A_31, %dma_start3A_32] : memref<32x128xf32, #tpu.memory_space<hbm>> -> memref<32x128xf32, #tpu.memory_space<hbm>>
    tpu.enqueue_indirect_dma source(%dma_start3A_33 : memref<32x128xf32, #tpu.memory_space<hbm>>) target(%dma_start3A_28 : memref<112x128xf32, #tpu.memory_space<vmem>>) offsets(%dma_start3A_30 : memref<112xi32, #tpu.memory_space<vmem>>) semaphore(%arg7 : memref<!tpu.dma_semaphore, #tpu.memory_space<semaphore_mem>>)
    %dma_start3A_34 = arith.constant 448 : i32
    %dma_start3A_35 = arith.constant 0 : i32
    %dma_start3A_36 = tpu.memref_slice %arg6[%dma_start3A_34, %dma_start3A_35] : memref<896x128xf32, #tpu.memory_space<vmem>> -> memref<112x128xf32, #tpu.memory_space<vmem>>
    %dma_start3A_37 = arith.constant 448 : i32
    %dma_start3A_38 = tpu.memref_slice %arg5[%dma_start3A_37] : memref<896xi32, #tpu.memory_space<vmem>> -> memref<112xi32, #tpu.memory_space<vmem>>
    %dma_start3A_39 = arith.constant 0 : i32
    %dma_start3A_40 = arith.constant 0 : i32
    %dma_start3A_41 = tpu.memref_slice %arg2[%dma_start3A_39, %dma_start3A_40] : memref<32x128xf32, #tpu.memory_space<hbm>> -> memref<32x128xf32, #tpu.memory_space<hbm>>
    tpu.enqueue_indirect_dma source(%dma_start3A_41 : memref<32x128xf32, #tpu.memory_space<hbm>>) target(%dma_start3A_36 : memref<112x128xf32, #tpu.memory_space<vmem>>) offsets(%dma_start3A_38 : memref<112xi32, #tpu.memory_space<vmem>>) semaphore(%arg7 : memref<!tpu.dma_semaphore, #tpu.memory_space<semaphore_mem>>)
    %dma_start3A_42 = arith.constant 560 : i32
    %dma_start3A_43 = arith.constant 0 : i32
    %dma_start3A_44 = tpu.memref_slice %arg6[%dma_start3A_42, %dma_start3A_43] : memref<896x128xf32, #tpu.memory_space<vmem>> -> memref<112x128xf32, #tpu.memory_space<vmem>>
    %dma_start3A_45 = arith.constant 560 : i32
    %dma_start3A_46 = tpu.memref_slice %arg5[%dma_start3A_45] : memref<896xi32, #tpu.memory_space<vmem>> -> memref<112xi32, #tpu.memory_space<vmem>>
    %dma_start3A_47 = arith.constant 0 : i32
    %dma_start3A_48 = arith.constant 0 : i32
    %dma_start3A_49 = tpu.memref_slice %arg2[%dma_start3A_47, %dma_start3A_48] : memref<32x128xf32, #tpu.memory_space<hbm>> -> memref<32x128xf32, #tpu.memory_space<hbm>>
    tpu.enqueue_indirect_dma source(%dma_start3A_49 : memref<32x128xf32, #tpu.memory_space<hbm>>) target(%dma_start3A_44 : memref<112x128xf32, #tpu.memory_space<vmem>>) offsets(%dma_start3A_46 : memref<112xi32, #tpu.memory_space<vmem>>) semaphore(%arg7 : memref<!tpu.dma_semaphore, #tpu.memory_space<semaphore_mem>>)
    %dma_start3A_50 = arith.constant 672 : i32
    %dma_start3A_51 = arith.constant 0 : i32
    %dma_start3A_52 = tpu.memref_slice %arg6[%dma_start3A_50, %dma_start3A_51] : memref<896x128xf32, #tpu.memory_space<vmem>> -> memref<112x128xf32, #tpu.memory_space<vmem>>
    %dma_start3A_53 = arith.constant 672 : i32
    %dma_start3A_54 = tpu.memref_slice %arg5[%dma_start3A_53] : memref<896xi32, #tpu.memory_space<vmem>> -> memref<112xi32, #tpu.memory_space<vmem>>
    %dma_start3A_55 = arith.constant 0 : i32
    %dma_start3A_56 = arith.constant 0 : i32
    %dma_start3A_57 = tpu.memref_slice %arg2[%dma_start3A_55, %dma_start3A_56] : memref<32x128xf32, #tpu.memory_space<hbm>> -> memref<32x128xf32, #tpu.memory_space<hbm>>
    tpu.enqueue_indirect_dma source(%dma_start3A_57 : memref<32x128xf32, #tpu.memory_space<hbm>>) target(%dma_start3A_52 : memref<112x128xf32, #tpu.memory_space<vmem>>) offsets(%dma_start3A_54 : memref<112xi32, #tpu.memory_space<vmem>>) semaphore(%arg7 : memref<!tpu.dma_semaphore, #tpu.memory_space<semaphore_mem>>)
    %dma_start3A_58 = arith.constant 784 : i32
    %dma_start3A_59 = arith.constant 0 : i32
    %dma_start3A_60 = tpu.memref_slice %arg6[%dma_start3A_58, %dma_start3A_59] : memref<896x128xf32, #tpu.memory_space<vmem>> -> memref<112x128xf32, #tpu.memory_space<vmem>>
    %dma_start3A_61 = arith.constant 784 : i32
    %dma_start3A_62 = tpu.memref_slice %arg5[%dma_start3A_61] : memref<896xi32, #tpu.memory_space<vmem>> -> memref<112xi32, #tpu.memory_space<vmem>>
    %dma_start3A_63 = arith.constant 0 : i32
    %dma_start3A_64 = arith.constant 0 : i32
    %dma_start3A_65 = tpu.memref_slice %arg2[%dma_start3A_63, %dma_start3A_64] : memref<32x128xf32, #tpu.memory_space<hbm>> -> memref<32x128xf32, #tpu.memory_space<hbm>>
    tpu.enqueue_indirect_dma source(%dma_start3A_65 : memref<32x128xf32, #tpu.memory_space<hbm>>) target(%dma_start3A_60 : memref<112x128xf32, #tpu.memory_space<vmem>>) offsets(%dma_start3A_62 : memref<112xi32, #tpu.memory_space<vmem>>) semaphore(%arg7 : memref<!tpu.dma_semaphore, #tpu.memory_space<semaphore_mem>>)
    %dma_wait3A = arith.constant 0 : i32
    %dma_wait3A_66 = arith.constant 0 : i32
    %dma_wait3A_67 = tpu.memref_slice %arg6[%dma_wait3A, %dma_wait3A_66] : memref<896x128xf32, #tpu.memory_space<vmem>> -> memref<112x128xf32, #tpu.memory_space<vmem>>
    %dma_wait3A_68 = arith.constant 0 : i32
    %dma_wait3A_69 = tpu.memref_slice %arg5[%dma_wait3A_68] : memref<896xi32, #tpu.memory_space<vmem>> -> memref<112xi32, #tpu.memory_space<vmem>>
    %dma_wait3A_70 = arith.constant 0 : i32
    %dma_wait3A_71 = arith.constant 0 : i32
    %dma_wait3A_72 = tpu.memref_slice %arg2[%dma_wait3A_70, %dma_wait3A_71] : memref<32x128xf32, #tpu.memory_space<hbm>> -> memref<32x128xf32, #tpu.memory_space<hbm>>
    tpu.wait_indirect_dma semaphore(%arg7 : memref<!tpu.dma_semaphore, #tpu.memory_space<semaphore_mem>>) src(%dma_wait3A_72 : memref<32x128xf32, #tpu.memory_space<hbm>>) dst(%dma_wait3A_67 : memref<112x128xf32, #tpu.memory_space<vmem>>)
    %dma_wait3A_73 = arith.constant 112 : i32
    %dma_wait3A_74 = arith.constant 0 : i32
    %dma_wait3A_75 = tpu.memref_slice %arg6[%dma_wait3A_73, %dma_wait3A_74] : memref<896x128xf32, #tpu.memory_space<vmem>> -> memref<112x128xf32, #tpu.memory_space<vmem>>
    %dma_wait3A_76 = arith.constant 112 : i32
    %dma_wait3A_77 = tpu.memref_slice %arg5[%dma_wait3A_76] : memref<896xi32, #tpu.memory_space<vmem>> -> memref<112xi32, #tpu.memory_space<vmem>>
    %dma_wait3A_78 = arith.constant 0 : i32
    %dma_wait3A_79 = arith.constant 0 : i32
    %dma_wait3A_80 = tpu.memref_slice %arg2[%dma_wait3A_78, %dma_wait3A_79] : memref<32x128xf32, #tpu.memory_space<hbm>> -> memref<32x128xf32, #tpu.memory_space<hbm>>
    tpu.wait_indirect_dma semaphore(%arg7 : memref<!tpu.dma_semaphore, #tpu.memory_space<semaphore_mem>>) src(%dma_wait3A_80 : memref<32x128xf32, #tpu.memory_space<hbm>>) dst(%dma_wait3A_75 : memref<112x128xf32, #tpu.memory_space<vmem>>)
    %dma_wait3A_81 = arith.constant 224 : i32
    %dma_wait3A_82 = arith.constant 0 : i32
    %dma_wait3A_83 = tpu.memref_slice %arg6[%dma_wait3A_81, %dma_wait3A_82] : memref<896x128xf32, #tpu.memory_space<vmem>> -> memref<112x128xf32, #tpu.memory_space<vmem>>
    %dma_wait3A_84 = arith.constant 224 : i32
    %dma_wait3A_85 = tpu.memref_slice %arg5[%dma_wait3A_84] : memref<896xi32, #tpu.memory_space<vmem>> -> memref<112xi32, #tpu.memory_space<vmem>>
    %dma_wait3A_86 = arith.constant 0 : i32
    %dma_wait3A_87 = arith.constant 0 : i32
    %dma_wait3A_88 = tpu.memref_slice %arg2[%dma_wait3A_86, %dma_wait3A_87] : memref<32x128xf32, #tpu.memory_space<hbm>> -> memref<32x128xf32, #tpu.memory_space<hbm>>
    tpu.wait_indirect_dma semaphore(%arg7 : memref<!tpu.dma_semaphore, #tpu.memory_space<semaphore_mem>>) src(%dma_wait3A_88 : memref<32x128xf32, #tpu.memory_space<hbm>>) dst(%dma_wait3A_83 : memref<112x128xf32, #tpu.memory_space<vmem>>)
    %dma_wait3A_89 = arith.constant 336 : i32
    %dma_wait3A_90 = arith.constant 0 : i32
    %dma_wait3A_91 = tpu.memref_slice %arg6[%dma_wait3A_89, %dma_wait3A_90] : memref<896x128xf32, #tpu.memory_space<vmem>> -> memref<112x128xf32, #tpu.memory_space<vmem>>
    %dma_wait3A_92 = arith.constant 336 : i32
    %dma_wait3A_93 = tpu.memref_slice %arg5[%dma_wait3A_92] : memref<896xi32, #tpu.memory_space<vmem>> -> memref<112xi32, #tpu.memory_space<vmem>>
    %dma_wait3A_94 = arith.constant 0 : i32
    %dma_wait3A_95 = arith.constant 0 : i32
    %dma_wait3A_96 = tpu.memref_slice %arg2[%dma_wait3A_94, %dma_wait3A_95] : memref<32x128xf32, #tpu.memory_space<hbm>> -> memref<32x128xf32, #tpu.memory_space<hbm>>
    tpu.wait_indirect_dma semaphore(%arg7 : memref<!tpu.dma_semaphore, #tpu.memory_space<semaphore_mem>>) src(%dma_wait3A_96 : memref<32x128xf32, #tpu.memory_space<hbm>>) dst(%dma_wait3A_91 : memref<112x128xf32, #tpu.memory_space<vmem>>)
    %dma_wait3A_97 = arith.constant 448 : i32
    %dma_wait3A_98 = arith.constant 0 : i32
    %dma_wait3A_99 = tpu.memref_slice %arg6[%dma_wait3A_97, %dma_wait3A_98] : memref<896x128xf32, #tpu.memory_space<vmem>> -> memref<112x128xf32, #tpu.memory_space<vmem>>
    %dma_wait3A_100 = arith.constant 448 : i32
    %dma_wait3A_101 = tpu.memref_slice %arg5[%dma_wait3A_100] : memref<896xi32, #tpu.memory_space<vmem>> -> memref<112xi32, #tpu.memory_space<vmem>>
    %dma_wait3A_102 = arith.constant 0 : i32
    %dma_wait3A_103 = arith.constant 0 : i32
    %dma_wait3A_104 = tpu.memref_slice %arg2[%dma_wait3A_102, %dma_wait3A_103] : memref<32x128xf32, #tpu.memory_space<hbm>> -> memref<32x128xf32, #tpu.memory_space<hbm>>
    tpu.wait_indirect_dma semaphore(%arg7 : memref<!tpu.dma_semaphore, #tpu.memory_space<semaphore_mem>>) src(%dma_wait3A_104 : memref<32x128xf32, #tpu.memory_space<hbm>>) dst(%dma_wait3A_99 : memref<112x128xf32, #tpu.memory_space<vmem>>)
    %dma_wait3A_105 = arith.constant 560 : i32
    %dma_wait3A_106 = arith.constant 0 : i32
    %dma_wait3A_107 = tpu.memref_slice %arg6[%dma_wait3A_105, %dma_wait3A_106] : memref<896x128xf32, #tpu.memory_space<vmem>> -> memref<112x128xf32, #tpu.memory_space<vmem>>
    %dma_wait3A_108 = arith.constant 560 : i32
    %dma_wait3A_109 = tpu.memref_slice %arg5[%dma_wait3A_108] : memref<896xi32, #tpu.memory_space<vmem>> -> memref<112xi32, #tpu.memory_space<vmem>>
    %dma_wait3A_110 = arith.constant 0 : i32
    %dma_wait3A_111 = arith.constant 0 : i32
    %dma_wait3A_112 = tpu.memref_slice %arg2[%dma_wait3A_110, %dma_wait3A_111] : memref<32x128xf32, #tpu.memory_space<hbm>> -> memref<32x128xf32, #tpu.memory_space<hbm>>
    tpu.wait_indirect_dma semaphore(%arg7 : memref<!tpu.dma_semaphore, #tpu.memory_space<semaphore_mem>>) src(%dma_wait3A_112 : memref<32x128xf32, #tpu.memory_space<hbm>>) dst(%dma_wait3A_107 : memref<112x128xf32, #tpu.memory_space<vmem>>)
    %dma_wait3A_113 = arith.constant 672 : i32
    %dma_wait3A_114 = arith.constant 0 : i32
    %dma_wait3A_115 = tpu.memref_slice %arg6[%dma_wait3A_113, %dma_wait3A_114] : memref<896x128xf32, #tpu.memory_space<vmem>> -> memref<112x128xf32, #tpu.memory_space<vmem>>
    %dma_wait3A_116 = arith.constant 672 : i32
    %dma_wait3A_117 = tpu.memref_slice %arg5[%dma_wait3A_116] : memref<896xi32, #tpu.memory_space<vmem>> -> memref<112xi32, #tpu.memory_space<vmem>>
    %dma_wait3A_118 = arith.constant 0 : i32
    %dma_wait3A_119 = arith.constant 0 : i32
    %dma_wait3A_120 = tpu.memref_slice %arg2[%dma_wait3A_118, %dma_wait3A_119] : memref<32x128xf32, #tpu.memory_space<hbm>> -> memref<32x128xf32, #tpu.memory_space<hbm>>
    tpu.wait_indirect_dma semaphore(%arg7 : memref<!tpu.dma_semaphore, #tpu.memory_space<semaphore_mem>>) src(%dma_wait3A_120 : memref<32x128xf32, #tpu.memory_space<hbm>>) dst(%dma_wait3A_115 : memref<112x128xf32, #tpu.memory_space<vmem>>)
    %dma_wait3A_121 = arith.constant 784 : i32
    %dma_wait3A_122 = arith.constant 0 : i32
    %dma_wait3A_123 = tpu.memref_slice %arg6[%dma_wait3A_121, %dma_wait3A_122] : memref<896x128xf32, #tpu.memory_space<vmem>> -> memref<112x128xf32, #tpu.memory_space<vmem>>
    %dma_wait3A_124 = arith.constant 784 : i32
    %dma_wait3A_125 = tpu.memref_slice %arg5[%dma_wait3A_124] : memref<896xi32, #tpu.memory_space<vmem>> -> memref<112xi32, #tpu.memory_space<vmem>>
    %dma_wait3A_126 = arith.constant 0 : i32
    %dma_wait3A_127 = arith.constant 0 : i32
    %dma_wait3A_128 = tpu.memref_slice %arg2[%dma_wait3A_126, %dma_wait3A_127] : memref<32x128xf32, #tpu.memory_space<hbm>> -> memref<32x128xf32, #tpu.memory_space<hbm>>
    tpu.wait_indirect_dma semaphore(%arg7 : memref<!tpu.dma_semaphore, #tpu.memory_space<semaphore_mem>>) src(%dma_wait3A_128 : memref<32x128xf32, #tpu.memory_space<hbm>>) dst(%dma_wait3A_123 : memref<112x128xf32, #tpu.memory_space<vmem>>)
    "tpu.region"() ({
      %run_scoped3A = tpu.sem_alloc : memref<!tpu.dma_semaphore, #tpu.memory_space<semaphore_mem>>
      %dma_start3A_129 = arith.constant 0 : i32
      %dma_start3A_130 = tpu.memref_slice %arg4[%mul3A_2, %dma_start3A_129] : memref<28672x128xf32, #tpu.memory_space<hbm>> -> memref<896x128xf32, #tpu.memory_space<hbm>>
      %dma_start3A_131 = arith.constant 0 : i32
      %dma_start3A_132 = tpu.memref_slice %arg4[%mul3A_2, %dma_start3A_131] : memref<28672x128xf32, #tpu.memory_space<hbm>> -> memref<896x128xf32, #tpu.memory_space<hbm>>
      tpu.enqueue_dma source(%arg6 : memref<896x128xf32, #tpu.memory_space<vmem>>) target(%dma_start3A_132 : memref<896x128xf32, #tpu.memory_space<hbm>>) target_semaphore(%run_scoped3A : memref<!tpu.dma_semaphore, #tpu.memory_space<semaphore_mem>>)
      %dma_wait3A_133 = arith.constant 0 : i32
      %dma_wait3A_134 = tpu.memref_slice %arg4[%mul3A_2, %dma_wait3A_133] : memref<28672x128xf32, #tpu.memory_space<hbm>> -> memref<896x128xf32, #tpu.memory_space<hbm>>
      %dma_wait3A_135 = arith.constant 0 : i32
      %dma_wait3A_136 = tpu.memref_slice %arg4[%mul3A_2, %dma_wait3A_135] : memref<28672x128xf32, #tpu.memory_space<hbm>> -> memref<896x128xf32, #tpu.memory_space<hbm>>
      tpu.wait_dma2 semaphore(%run_scoped3A : memref<!tpu.dma_semaphore, #tpu.memory_space<semaphore_mem>>) src(%arg6 : memref<896x128xf32, #tpu.memory_space<vmem>>) dst(%dma_wait3A_136 : memref<896x128xf32, #tpu.memory_space<hbm>>)
      tpu.yield
    }) : () -> ()
    return
  }
}

#map = affine_map<(d0, d1) -> (0, 0)>
#map1 = affine_map<(d0, d1) -> (0)>
module attributes {stable_mosaic.version = 14 : i64} {
  func.func @k(%arg0: i32, %arg1: i32, %arg2: memref<64x128xf32, #tpu.memory_space<hbm>>, %arg3: memref<14336xi32, #tpu.memory_space<hbm>>, %arg4: memref<14336x128xf32, #tpu.memory_space<hbm>>, %arg5: memref<448xi32, #tpu.memory_space<vmem>>, %arg6: memref<448x128xf32, #tpu.memory_space<vmem>>, %arg7: memref<!tpu.dma_semaphore, #tpu.memory_space<semaphore_mem>>) attributes {dimension_semantics = [#tpu.dimension_semantics<core_parallel>, #tpu.dimension_semantics<subcore_parallel>], iteration_bounds = array<i64: 2, 16>, scalar_prefetch = 0 : i64, scratch_operands = 3 : i64, tpu.core_type = #tpu.core_type<sc_vector_subcore>, window_params = [{transform_indices = #map}, {transform_indices = #map1}, {transform_indices = #map}]} {
    %mul3A = arith.constant 2 : i32
    %mul3A_0 = arith.muli %arg1, %mul3A : i32
    %add3A = arith.addi %mul3A_0, %arg0 : i32
    %mul3A_1 = arith.constant 448 : i32
    %mul3A_2 = arith.muli %add3A, %mul3A_1 : i32
    "tpu.region"() ({
      %run_scoped3A = tpu.sem_alloc : memref<!tpu.dma_semaphore, #tpu.memory_space<semaphore_mem>>
      %dma_start3A_65 = tpu.memref_slice %arg3[%mul3A_2] : memref<14336xi32, #tpu.memory_space<hbm>> -> memref<448xi32, #tpu.memory_space<hbm>>
      %dma_start3A_66 = tpu.memref_slice %arg3[%mul3A_2] : memref<14336xi32, #tpu.memory_space<hbm>> -> memref<448xi32, #tpu.memory_space<hbm>>
      tpu.enqueue_dma source(%dma_start3A_66 : memref<448xi32, #tpu.memory_space<hbm>>) target(%arg5 : memref<448xi32, #tpu.memory_space<vmem>>) target_semaphore(%run_scoped3A : memref<!tpu.dma_semaphore, #tpu.memory_space<semaphore_mem>>)
      %dma_wait3A_67 = tpu.memref_slice %arg3[%mul3A_2] : memref<14336xi32, #tpu.memory_space<hbm>> -> memref<448xi32, #tpu.memory_space<hbm>>
      %dma_wait3A_68 = tpu.memref_slice %arg3[%mul3A_2] : memref<14336xi32, #tpu.memory_space<hbm>> -> memref<448xi32, #tpu.memory_space<hbm>>
      tpu.wait_dma2 semaphore(%run_scoped3A : memref<!tpu.dma_semaphore, #tpu.memory_space<semaphore_mem>>) src(%dma_wait3A_68 : memref<448xi32, #tpu.memory_space<hbm>>) dst(%arg5 : memref<448xi32, #tpu.memory_space<vmem>>)
      tpu.yield
    }) : () -> ()
    %dma_start3A = arith.constant 0 : i32
    %dma_start3A_3 = arith.constant 0 : i32
    %dma_start3A_4 = tpu.memref_slice %arg6[%dma_start3A, %dma_start3A_3] : memref<448x128xf32, #tpu.memory_space<vmem>> -> memref<112x128xf32, #tpu.memory_space<vmem>>
    %dma_start3A_5 = arith.constant 0 : i32
    %dma_start3A_6 = tpu.memref_slice %arg5[%dma_start3A_5] : memref<448xi32, #tpu.memory_space<vmem>> -> memref<112xi32, #tpu.memory_space<vmem>>
    %dma_start3A_7 = arith.constant 0 : i32
    %dma_start3A_8 = arith.constant 0 : i32
    %dma_start3A_9 = tpu.memref_slice %arg2[%dma_start3A_7, %dma_start3A_8] : memref<64x128xf32, #tpu.memory_space<hbm>> -> memref<64x128xf32, #tpu.memory_space<hbm>>
    tpu.enqueue_indirect_dma source(%dma_start3A_9 : memref<64x128xf32, #tpu.memory_space<hbm>>) target(%dma_start3A_4 : memref<112x128xf32, #tpu.memory_space<vmem>>) offsets(%dma_start3A_6 : memref<112xi32, #tpu.memory_space<vmem>>) semaphore(%arg7 : memref<!tpu.dma_semaphore, #tpu.memory_space<semaphore_mem>>)
    %dma_start3A_10 = arith.constant 112 : i32
    %dma_start3A_11 = arith.constant 0 : i32
    %dma_start3A_12 = tpu.memref_slice %arg6[%dma_start3A_10, %dma_start3A_11] : memref<448x128xf32, #tpu.memory_space<vmem>> -> memref<112x128xf32, #tpu.memory_space<vmem>>
    %dma_start3A_13 = arith.constant 112 : i32
    %dma_start3A_14 = tpu.memref_slice %arg5[%dma_start3A_13] : memref<448xi32, #tpu.memory_space<vmem>> -> memref<112xi32, #tpu.memory_space<vmem>>
    %dma_start3A_15 = arith.constant 0 : i32
    %dma_start3A_16 = arith.constant 0 : i32
    %dma_start3A_17 = tpu.memref_slice %arg2[%dma_start3A_15, %dma_start3A_16] : memref<64x128xf32, #tpu.memory_space<hbm>> -> memref<64x128xf32, #tpu.memory_space<hbm>>
    tpu.enqueue_indirect_dma source(%dma_start3A_17 : memref<64x128xf32, #tpu.memory_space<hbm>>) target(%dma_start3A_12 : memref<112x128xf32, #tpu.memory_space<vmem>>) offsets(%dma_start3A_14 : memref<112xi32, #tpu.memory_space<vmem>>) semaphore(%arg7 : memref<!tpu.dma_semaphore, #tpu.memory_space<semaphore_mem>>)
    %dma_start3A_18 = arith.constant 224 : i32
    %dma_start3A_19 = arith.constant 0 : i32
    %dma_start3A_20 = tpu.memref_slice %arg6[%dma_start3A_18, %dma_start3A_19] : memref<448x128xf32, #tpu.memory_space<vmem>> -> memref<112x128xf32, #tpu.memory_space<vmem>>
    %dma_start3A_21 = arith.constant 224 : i32
    %dma_start3A_22 = tpu.memref_slice %arg5[%dma_start3A_21] : memref<448xi32, #tpu.memory_space<vmem>> -> memref<112xi32, #tpu.memory_space<vmem>>
    %dma_start3A_23 = arith.constant 0 : i32
    %dma_start3A_24 = arith.constant 0 : i32
    %dma_start3A_25 = tpu.memref_slice %arg2[%dma_start3A_23, %dma_start3A_24] : memref<64x128xf32, #tpu.memory_space<hbm>> -> memref<64x128xf32, #tpu.memory_space<hbm>>
    tpu.enqueue_indirect_dma source(%dma_start3A_25 : memref<64x128xf32, #tpu.memory_space<hbm>>) target(%dma_start3A_20 : memref<112x128xf32, #tpu.memory_space<vmem>>) offsets(%dma_start3A_22 : memref<112xi32, #tpu.memory_space<vmem>>) semaphore(%arg7 : memref<!tpu.dma_semaphore, #tpu.memory_space<semaphore_mem>>)
    %dma_start3A_26 = arith.constant 336 : i32
    %dma_start3A_27 = arith.constant 0 : i32
    %dma_start3A_28 = tpu.memref_slice %arg6[%dma_start3A_26, %dma_start3A_27] : memref<448x128xf32, #tpu.memory_space<vmem>> -> memref<112x128xf32, #tpu.memory_space<vmem>>
    %dma_start3A_29 = arith.constant 336 : i32
    %dma_start3A_30 = tpu.memref_slice %arg5[%dma_start3A_29] : memref<448xi32, #tpu.memory_space<vmem>> -> memref<112xi32, #tpu.memory_space<vmem>>
    %dma_start3A_31 = arith.constant 0 : i32
    %dma_start3A_32 = arith.constant 0 : i32
    %dma_start3A_33 = tpu.memref_slice %arg2[%dma_start3A_31, %dma_start3A_32] : memref<64x128xf32, #tpu.memory_space<hbm>> -> memref<64x128xf32, #tpu.memory_space<hbm>>
    tpu.enqueue_indirect_dma source(%dma_start3A_33 : memref<64x128xf32, #tpu.memory_space<hbm>>) target(%dma_start3A_28 : memref<112x128xf32, #tpu.memory_space<vmem>>) offsets(%dma_start3A_30 : memref<112xi32, #tpu.memory_space<vmem>>) semaphore(%arg7 : memref<!tpu.dma_semaphore, #tpu.memory_space<semaphore_mem>>)
    %dma_wait3A = arith.constant 0 : i32
    %dma_wait3A_34 = arith.constant 0 : i32
    %dma_wait3A_35 = tpu.memref_slice %arg6[%dma_wait3A, %dma_wait3A_34] : memref<448x128xf32, #tpu.memory_space<vmem>> -> memref<112x128xf32, #tpu.memory_space<vmem>>
    %dma_wait3A_36 = arith.constant 0 : i32
    %dma_wait3A_37 = tpu.memref_slice %arg5[%dma_wait3A_36] : memref<448xi32, #tpu.memory_space<vmem>> -> memref<112xi32, #tpu.memory_space<vmem>>
    %dma_wait3A_38 = arith.constant 0 : i32
    %dma_wait3A_39 = arith.constant 0 : i32
    %dma_wait3A_40 = tpu.memref_slice %arg2[%dma_wait3A_38, %dma_wait3A_39] : memref<64x128xf32, #tpu.memory_space<hbm>> -> memref<64x128xf32, #tpu.memory_space<hbm>>
    tpu.wait_indirect_dma semaphore(%arg7 : memref<!tpu.dma_semaphore, #tpu.memory_space<semaphore_mem>>) src(%dma_wait3A_40 : memref<64x128xf32, #tpu.memory_space<hbm>>) dst(%dma_wait3A_35 : memref<112x128xf32, #tpu.memory_space<vmem>>)
    %dma_wait3A_41 = arith.constant 112 : i32
    %dma_wait3A_42 = arith.constant 0 : i32
    %dma_wait3A_43 = tpu.memref_slice %arg6[%dma_wait3A_41, %dma_wait3A_42] : memref<448x128xf32, #tpu.memory_space<vmem>> -> memref<112x128xf32, #tpu.memory_space<vmem>>
    %dma_wait3A_44 = arith.constant 112 : i32
    %dma_wait3A_45 = tpu.memref_slice %arg5[%dma_wait3A_44] : memref<448xi32, #tpu.memory_space<vmem>> -> memref<112xi32, #tpu.memory_space<vmem>>
    %dma_wait3A_46 = arith.constant 0 : i32
    %dma_wait3A_47 = arith.constant 0 : i32
    %dma_wait3A_48 = tpu.memref_slice %arg2[%dma_wait3A_46, %dma_wait3A_47] : memref<64x128xf32, #tpu.memory_space<hbm>> -> memref<64x128xf32, #tpu.memory_space<hbm>>
    tpu.wait_indirect_dma semaphore(%arg7 : memref<!tpu.dma_semaphore, #tpu.memory_space<semaphore_mem>>) src(%dma_wait3A_48 : memref<64x128xf32, #tpu.memory_space<hbm>>) dst(%dma_wait3A_43 : memref<112x128xf32, #tpu.memory_space<vmem>>)
    %dma_wait3A_49 = arith.constant 224 : i32
    %dma_wait3A_50 = arith.constant 0 : i32
    %dma_wait3A_51 = tpu.memref_slice %arg6[%dma_wait3A_49, %dma_wait3A_50] : memref<448x128xf32, #tpu.memory_space<vmem>> -> memref<112x128xf32, #tpu.memory_space<vmem>>
    %dma_wait3A_52 = arith.constant 224 : i32
    %dma_wait3A_53 = tpu.memref_slice %arg5[%dma_wait3A_52] : memref<448xi32, #tpu.memory_space<vmem>> -> memref<112xi32, #tpu.memory_space<vmem>>
    %dma_wait3A_54 = arith.constant 0 : i32
    %dma_wait3A_55 = arith.constant 0 : i32
    %dma_wait3A_56 = tpu.memref_slice %arg2[%dma_wait3A_54, %dma_wait3A_55] : memref<64x128xf32, #tpu.memory_space<hbm>> -> memref<64x128xf32, #tpu.memory_space<hbm>>
    tpu.wait_indirect_dma semaphore(%arg7 : memref<!tpu.dma_semaphore, #tpu.memory_space<semaphore_mem>>) src(%dma_wait3A_56 : memref<64x128xf32, #tpu.memory_space<hbm>>) dst(%dma_wait3A_51 : memref<112x128xf32, #tpu.memory_space<vmem>>)
    %dma_wait3A_57 = arith.constant 336 : i32
    %dma_wait3A_58 = arith.constant 0 : i32
    %dma_wait3A_59 = tpu.memref_slice %arg6[%dma_wait3A_57, %dma_wait3A_58] : memref<448x128xf32, #tpu.memory_space<vmem>> -> memref<112x128xf32, #tpu.memory_space<vmem>>
    %dma_wait3A_60 = arith.constant 336 : i32
    %dma_wait3A_61 = tpu.memref_slice %arg5[%dma_wait3A_60] : memref<448xi32, #tpu.memory_space<vmem>> -> memref<112xi32, #tpu.memory_space<vmem>>
    %dma_wait3A_62 = arith.constant 0 : i32
    %dma_wait3A_63 = arith.constant 0 : i32
    %dma_wait3A_64 = tpu.memref_slice %arg2[%dma_wait3A_62, %dma_wait3A_63] : memref<64x128xf32, #tpu.memory_space<hbm>> -> memref<64x128xf32, #tpu.memory_space<hbm>>
    tpu.wait_indirect_dma semaphore(%arg7 : memref<!tpu.dma_semaphore, #tpu.memory_space<semaphore_mem>>) src(%dma_wait3A_64 : memref<64x128xf32, #tpu.memory_space<hbm>>) dst(%dma_wait3A_59 : memref<112x128xf32, #tpu.memory_space<vmem>>)
    "tpu.region"() ({
      %run_scoped3A = tpu.sem_alloc : memref<!tpu.dma_semaphore, #tpu.memory_space<semaphore_mem>>
      %dma_start3A_65 = arith.constant 0 : i32
      %dma_start3A_66 = tpu.memref_slice %arg4[%mul3A_2, %dma_start3A_65] : memref<14336x128xf32, #tpu.memory_space<hbm>> -> memref<448x128xf32, #tpu.memory_space<hbm>>
      %dma_start3A_67 = arith.constant 0 : i32
      %dma_start3A_68 = tpu.memref_slice %arg4[%mul3A_2, %dma_start3A_67] : memref<14336x128xf32, #tpu.memory_space<hbm>> -> memref<448x128xf32, #tpu.memory_space<hbm>>
      tpu.enqueue_dma source(%arg6 : memref<448x128xf32, #tpu.memory_space<vmem>>) target(%dma_start3A_68 : memref<448x128xf32, #tpu.memory_space<hbm>>) target_semaphore(%run_scoped3A : memref<!tpu.dma_semaphore, #tpu.memory_space<semaphore_mem>>)
      %dma_wait3A_69 = arith.constant 0 : i32
      %dma_wait3A_70 = tpu.memref_slice %arg4[%mul3A_2, %dma_wait3A_69] : memref<14336x128xf32, #tpu.memory_space<hbm>> -> memref<448x128xf32, #tpu.memory_space<hbm>>
      %dma_wait3A_71 = arith.constant 0 : i32
      %dma_wait3A_72 = tpu.memref_slice %arg4[%mul3A_2, %dma_wait3A_71] : memref<14336x128xf32, #tpu.memory_space<hbm>> -> memref<448x128xf32, #tpu.memory_space<hbm>>
      tpu.wait_dma2 semaphore(%run_scoped3A : memref<!tpu.dma_semaphore, #tpu.memory_space<semaphore_mem>>) src(%arg6 : memref<448x128xf32, #tpu.memory_space<vmem>>) dst(%dma_wait3A_72 : memref<448x128xf32, #tpu.memory_space<hbm>>)
      tpu.yield
    }) : () -> ()
    return
  }
}

module attributes {stable_mosaic.version = 14 : i64} {
  func.func @_tower_body(%arg0: i32, %arg1: memref<2048x128xf32, #tpu.memory_space<vmem>>, %arg2: memref<4096x128xf32, #tpu.memory_space<vmem>>, %arg3: memref<2x2x1024xi32, #tpu.memory_space<vmem>>, %arg4: memref<2x2x1024xi32, #tpu.memory_space<vmem>>, %arg5: memref<2x2x2xf32, #tpu.memory_space<vmem>>, %arg6: memref<2x14xf32, #tpu.memory_space<smem>>, %arg7: memref<2x128xf32, #tpu.memory_space<vmem>>, %arg8: memref<1x128xf32, #tpu.memory_space<vmem>>, %arg9: memref<128x128xf32, #tpu.memory_space<vmem>>, %arg10: memref<1x128xf32, #tpu.memory_space<vmem>>, %arg11: memref<128x128xf32, #tpu.memory_space<vmem>>, %arg12: memref<1x128xf32, #tpu.memory_space<vmem>>, %arg13: memref<512x256xf32, #tpu.memory_space<vmem>>, %arg14: memref<1x256xf32, #tpu.memory_space<vmem>>, %arg15: memref<256x128xf32, #tpu.memory_space<vmem>>, %arg16: memref<1x128xf32, #tpu.memory_space<vmem>>, %arg17: memref<384x256xf32, #tpu.memory_space<vmem>>, %arg18: memref<1x256xf32, #tpu.memory_space<vmem>>, %arg19: memref<256x128xf32, #tpu.memory_space<vmem>>, %arg20: memref<1x128xf32, #tpu.memory_space<vmem>>, %arg21: memref<128x256xf32, #tpu.memory_space<vmem>>, %arg22: memref<1x256xf32, #tpu.memory_space<vmem>>, %arg23: memref<256x128xf32, #tpu.memory_space<vmem>>, %arg24: memref<1x128xf32, #tpu.memory_space<vmem>>, %arg25: memref<128x128xf32, #tpu.memory_space<vmem>>, %arg26: memref<1x128xf32, #tpu.memory_space<vmem>>, %arg27: memref<128x128xf32, #tpu.memory_space<vmem>>, %arg28: memref<1x128xf32, #tpu.memory_space<vmem>>, %arg29: memref<512x256xf32, #tpu.memory_space<vmem>>, %arg30: memref<1x256xf32, #tpu.memory_space<vmem>>, %arg31: memref<256x128xf32, #tpu.memory_space<vmem>>, %arg32: memref<1x128xf32, #tpu.memory_space<vmem>>, %arg33: memref<384x256xf32, #tpu.memory_space<vmem>>, %arg34: memref<1x256xf32, #tpu.memory_space<vmem>>, %arg35: memref<256x128xf32, #tpu.memory_space<vmem>>, %arg36: memref<1x128xf32, #tpu.memory_space<vmem>>, %arg37: memref<128x256xf32, #tpu.memory_space<vmem>>, %arg38: memref<1x256xf32, #tpu.memory_space<vmem>>, %arg39: memref<256x128xf32, #tpu.memory_space<vmem>>, %arg40: memref<1x128xf32, #tpu.memory_space<vmem>>, %arg41: memref<128x128xf32, #tpu.memory_space<vmem>>, %arg42: memref<1x128xf32, #tpu.memory_space<vmem>>, %arg43: memref<128x128xf32, #tpu.memory_space<vmem>>, %arg44: memref<1x128xf32, #tpu.memory_space<vmem>>, %arg45: memref<512x256xf32, #tpu.memory_space<vmem>>, %arg46: memref<1x256xf32, #tpu.memory_space<vmem>>, %arg47: memref<256x128xf32, #tpu.memory_space<vmem>>, %arg48: memref<1x128xf32, #tpu.memory_space<vmem>>, %arg49: memref<384x256xf32, #tpu.memory_space<vmem>>, %arg50: memref<1x256xf32, #tpu.memory_space<vmem>>, %arg51: memref<256x128xf32, #tpu.memory_space<vmem>>, %arg52: memref<1x128xf32, #tpu.memory_space<vmem>>, %arg53: memref<128x256xf32, #tpu.memory_space<vmem>>, %arg54: memref<1x256xf32, #tpu.memory_space<vmem>>, %arg55: memref<256x128xf32, #tpu.memory_space<vmem>>, %arg56: memref<1x128xf32, #tpu.memory_space<vmem>>, %arg57: memref<128x4xf32, #tpu.memory_space<vmem>>, %arg58: memref<1x4xf32, #tpu.memory_space<vmem>>, %arg59: memref<2x1xf32, #tpu.memory_space<vmem>>, %arg60: memref<4x4xf32, #tpu.memory_space<vmem>>) attributes {dimension_semantics = [#tpu.dimension_semantics<arbitrary>], iteration_bounds = array<i64: 7>, scalar_prefetch = 0 : i64, scratch_operands = 1 : i64, tpu.core_type = #tpu.core_type<tc>, window_params = [{transform_indices = @transform_0, window_bounds = array<i64: 2048, 128>}, {transform_indices = @transform_1, window_bounds = array<i64: 4096, 128>}, {transform_indices = @transform_2, window_bounds = array<i64: 2, 2, 1024>}, {transform_indices = @transform_3, window_bounds = array<i64: 2, 2, 1024>}, {transform_indices = @transform_4, window_bounds = array<i64: 2, 2, 2>}, {transform_indices = @transform_5, window_bounds = array<i64: 2, 14>}, {pipeline_mode = #tpu.pipeline_mode<synchronous>, transform_indices = @transform_6, window_bounds = array<i64: 2, 128>}, {pipeline_mode = #tpu.pipeline_mode<synchronous>, transform_indices = @transform_7, window_bounds = array<i64: 1, 128>}, {pipeline_mode = #tpu.pipeline_mode<synchronous>, transform_indices = @transform_8, window_bounds = array<i64: 128, 128>}, {pipeline_mode = #tpu.pipeline_mode<synchronous>, transform_indices = @transform_9, window_bounds = array<i64: 1, 128>}, {pipeline_mode = #tpu.pipeline_mode<synchronous>, transform_indices = @transform_10, window_bounds = array<i64: 128, 128>}, {pipeline_mode = #tpu.pipeline_mode<synchronous>, transform_indices = @transform_11, window_bounds = array<i64: 1, 128>}, {pipeline_mode = #tpu.pipeline_mode<synchronous>, transform_indices = @transform_12, window_bounds = array<i64: 512, 256>}, {pipeline_mode = #tpu.pipeline_mode<synchronous>, transform_indices = @transform_13, window_bounds = array<i64: 1, 256>}, {pipeline_mode = #tpu.pipeline_mode<synchronous>, transform_indices = @transform_14, window_bounds = array<i64: 256, 128>}, {pipeline_mode = #tpu.pipeline_mode<synchronous>, transform_indices = @transform_15, window_bounds = array<i64: 1, 128>}, {pipeline_mode = #tpu.pipeline_mode<synchronous>, transform_indices = @transform_16, window_bounds = array<i64: 384, 256>}, {pipeline_mode = #tpu.pipeline_mode<synchronous>, transform_indices = @transform_17, window_bounds = array<i64: 1, 256>}, {pipeline_mode = #tpu.pipeline_mode<synchronous>, transform_indices = @transform_18, window_bounds = array<i64: 256, 128>}, {pipeline_mode = #tpu.pipeline_mode<synchronous>, transform_indices = @transform_19, window_bounds = array<i64: 1, 128>}, {pipeline_mode = #tpu.pipeline_mode<synchronous>, transform_indices = @transform_20, window_bounds = array<i64: 128, 256>}, {pipeline_mode = #tpu.pipeline_mode<synchronous>, transform_indices = @transform_21, window_bounds = array<i64: 1, 256>}, {pipeline_mode = #tpu.pipeline_mode<synchronous>, transform_indices = @transform_22, window_bounds = array<i64: 256, 128>}, {pipeline_mode = #tpu.pipeline_mode<synchronous>, transform_indices = @transform_23, window_bounds = array<i64: 1, 128>}, {pipeline_mode = #tpu.pipeline_mode<synchronous>, transform_indices = @transform_24, window_bounds = array<i64: 128, 128>}, {pipeline_mode = #tpu.pipeline_mode<synchronous>, transform_indices = @transform_25, window_bounds = array<i64: 1, 128>}, {pipeline_mode = #tpu.pipeline_mode<synchronous>, transform_indices = @transform_26, window_bounds = array<i64: 128, 128>}, {pipeline_mode = #tpu.pipeline_mode<synchronous>, transform_indices = @transform_27, window_bounds = array<i64: 1, 128>}, {pipeline_mode = #tpu.pipeline_mode<synchronous>, transform_indices = @transform_28, window_bounds = array<i64: 512, 256>}, {pipeline_mode = #tpu.pipeline_mode<synchronous>, transform_indices = @transform_29, window_bounds = array<i64: 1, 256>}, {pipeline_mode = #tpu.pipeline_mode<synchronous>, transform_indices = @transform_30, window_bounds = array<i64: 256, 128>}, {pipeline_mode = #tpu.pipeline_mode<synchronous>, transform_indices = @transform_31, window_bounds = array<i64: 1, 128>}, {pipeline_mode = #tpu.pipeline_mode<synchronous>, transform_indices = @transform_32, window_bounds = array<i64: 384, 256>}, {pipeline_mode = #tpu.pipeline_mode<synchronous>, transform_indices = @transform_33, window_bounds = array<i64: 1, 256>}, {pipeline_mode = #tpu.pipeline_mode<synchronous>, transform_indices = @transform_34, window_bounds = array<i64: 256, 128>}, {pipeline_mode = #tpu.pipeline_mode<synchronous>, transform_indices = @transform_35, window_bounds = array<i64: 1, 128>}, {pipeline_mode = #tpu.pipeline_mode<synchronous>, transform_indices = @transform_36, window_bounds = array<i64: 128, 256>}, {pipeline_mode = #tpu.pipeline_mode<synchronous>, transform_indices = @transform_37, window_bounds = array<i64: 1, 256>}, {pipeline_mode = #tpu.pipeline_mode<synchronous>, transform_indices = @transform_38, window_bounds = array<i64: 256, 128>}, {pipeline_mode = #tpu.pipeline_mode<synchronous>, transform_indices = @transform_39, window_bounds = array<i64: 1, 128>}, {pipeline_mode = #tpu.pipeline_mode<synchronous>, transform_indices = @transform_40, window_bounds = array<i64: 128, 128>}, {pipeline_mode = #tpu.pipeline_mode<synchronous>, transform_indices = @transform_41, window_bounds = array<i64: 1, 128>}, {pipeline_mode = #tpu.pipeline_mode<synchronous>, transform_indices = @transform_42, window_bounds = array<i64: 128, 128>}, {pipeline_mode = #tpu.pipeline_mode<synchronous>, transform_indices = @transform_43, window_bounds = array<i64: 1, 128>}, {pipeline_mode = #tpu.pipeline_mode<synchronous>, transform_indices = @transform_44, window_bounds = array<i64: 512, 256>}, {pipeline_mode = #tpu.pipeline_mode<synchronous>, transform_indices = @transform_45, window_bounds = array<i64: 1, 256>}, {pipeline_mode = #tpu.pipeline_mode<synchronous>, transform_indices = @transform_46, window_bounds = array<i64: 256, 128>}, {pipeline_mode = #tpu.pipeline_mode<synchronous>, transform_indices = @transform_47, window_bounds = array<i64: 1, 128>}, {pipeline_mode = #tpu.pipeline_mode<synchronous>, transform_indices = @transform_48, window_bounds = array<i64: 384, 256>}, {pipeline_mode = #tpu.pipeline_mode<synchronous>, transform_indices = @transform_49, window_bounds = array<i64: 1, 256>}, {pipeline_mode = #tpu.pipeline_mode<synchronous>, transform_indices = @transform_50, window_bounds = array<i64: 256, 128>}, {pipeline_mode = #tpu.pipeline_mode<synchronous>, transform_indices = @transform_51, window_bounds = array<i64: 1, 128>}, {pipeline_mode = #tpu.pipeline_mode<synchronous>, transform_indices = @transform_52, window_bounds = array<i64: 128, 256>}, {pipeline_mode = #tpu.pipeline_mode<synchronous>, transform_indices = @transform_53, window_bounds = array<i64: 1, 256>}, {pipeline_mode = #tpu.pipeline_mode<synchronous>, transform_indices = @transform_54, window_bounds = array<i64: 256, 128>}, {pipeline_mode = #tpu.pipeline_mode<synchronous>, transform_indices = @transform_55, window_bounds = array<i64: 1, 128>}, {pipeline_mode = #tpu.pipeline_mode<synchronous>, transform_indices = @transform_56, window_bounds = array<i64: 128, 4>}, {pipeline_mode = #tpu.pipeline_mode<synchronous>, transform_indices = @transform_57, window_bounds = array<i64: 1, 4>}, {pipeline_mode = #tpu.pipeline_mode<synchronous>, transform_indices = @transform_58, window_bounds = array<i64: 2, 1>}]} {
    %eq3A = arith.constant 0 : i32
    %eq3A_0 = arith.cmpi eq, %arg0, %eq3A : i32
    %convert_element_type3A = arith.extui %eq3A_0 : i1 to i32
    %cond3A = arith.constant 0 : i32
    %cond3A_1 = arith.cmpi ne, %convert_element_type3A, %cond3A : i32
    scf.if %cond3A_1 {
      %broadcast_in_dim3A_657 = arith.constant 0.000000e+00 : f32
      %broadcast_in_dim3A_658 = vector.broadcast %broadcast_in_dim3A_657 : f32 to vector<4x4xf32>
      %swap3A_659 = arith.constant 0 : index
      %swap3A_660 = arith.constant 0 : index
      %swap3A_661 = vector.load %arg60[%swap3A_659, %swap3A_660] : memref<4x4xf32, #tpu.memory_space<vmem>>, vector<4x4xf32>
      tpu.vector_store %arg60[%swap3A_659, %swap3A_660], %broadcast_in_dim3A_658 {strides = array<i32>} : memref<4x4xf32, #tpu.memory_space<vmem>>, vector<4x4xf32>,
    } else {
    }
    %iota3A = tpu.iota {dimensions = array<i32: 0>} : vector<512x2048xi32>
    %get3A = arith.constant 0 : index
    %get3A_2 = arith.constant 0 : index
    %get3A_3 = arith.constant 0 : index
    %get3A_4 = vector.load %arg3[%get3A, %get3A_2, %get3A_3] : memref<2x2x1024xi32, #tpu.memory_space<vmem>>, vector<1x1x1024xi32>
    %get3A_5 = vector.shape_cast %get3A_4 : vector<1x1x1024xi32> to vector<1x1024xi32>
    %get3A_6 = arith.constant 0 : index
    %get3A_7 = arith.constant 0 : index
    %get3A_8 = arith.constant 0 : index
    %get3A_9 = vector.load %arg4[%get3A_6, %get3A_7, %get3A_8] : memref<2x2x1024xi32, #tpu.memory_space<vmem>>, vector<1x1x1024xi32>
    %get3A_10 = vector.shape_cast %get3A_9 : vector<1x1x1024xi32> to vector<1x1024xi32>
    %concatenate3A = tpu.concatenate %get3A_10, %get3A_5 in 1 : vector<1x1024xi32>, vector<1x1024xi32> -> vector<1x2048xi32>
    %eq3A_11 = vector.broadcast %concatenate3A : vector<1x2048xi32> to vector<512x2048xi32>
    %eq3A_12 = arith.cmpi eq, %eq3A_11, %iota3A : vector<512x2048xi32>
    %convert_element_type3A_13 = arith.extui %eq3A_12 : vector<512x2048xi1> to vector<512x2048xi32>
    %convert_element_type3A_14 = arith.sitofp %convert_element_type3A_13 : vector<512x2048xi32> to vector<512x2048xf32>
    %convert_element_type3A_15 = arith.truncf %convert_element_type3A_14 : vector<512x2048xf32> to vector<512x2048xbf16>
    %get3A_16 = arith.constant 0 : index
    %get3A_17 = arith.constant 1 : index
    %get3A_18 = arith.constant 0 : index
    %get3A_19 = vector.load %arg3[%get3A_16, %get3A_17, %get3A_18] : memref<2x2x1024xi32, #tpu.memory_space<vmem>>, vector<1x1x1024xi32>
    %get3A_20 = vector.shape_cast %get3A_19 : vector<1x1x1024xi32> to vector<1x1024xi32>
    %get3A_21 = arith.constant 0 : index
    %get3A_22 = arith.constant 1 : index
    %get3A_23 = arith.constant 0 : index
    %get3A_24 = vector.load %arg4[%get3A_21, %get3A_22, %get3A_23] : memref<2x2x1024xi32, #tpu.memory_space<vmem>>, vector<1x1x1024xi32>
    %get3A_25 = vector.shape_cast %get3A_24 : vector<1x1x1024xi32> to vector<1x1024xi32>
    %concatenate3A_26 = tpu.concatenate %get3A_25, %get3A_20 in 1 : vector<1x1024xi32>, vector<1x1024xi32> -> vector<1x2048xi32>
    %eq3A_27 = vector.broadcast %concatenate3A_26 : vector<1x2048xi32> to vector<512x2048xi32>
    %eq3A_28 = arith.cmpi eq, %eq3A_27, %iota3A : vector<512x2048xi32>
    %convert_element_type3A_29 = arith.extui %eq3A_28 : vector<512x2048xi1> to vector<512x2048xi32>
    %convert_element_type3A_30 = arith.sitofp %convert_element_type3A_29 : vector<512x2048xi32> to vector<512x2048xf32>
    %convert_element_type3A_31 = arith.truncf %convert_element_type3A_30 : vector<512x2048xf32> to vector<512x2048xbf16>
    %get3A_32 = arith.constant 1 : index
    %get3A_33 = arith.constant 0 : index
    %get3A_34 = arith.constant 0 : index
    %get3A_35 = vector.load %arg3[%get3A_32, %get3A_33, %get3A_34] : memref<2x2x1024xi32, #tpu.memory_space<vmem>>, vector<1x1x1024xi32>
    %get3A_36 = vector.shape_cast %get3A_35 : vector<1x1x1024xi32> to vector<1x1024xi32>
    %get3A_37 = arith.constant 1 : index
    %get3A_38 = arith.constant 0 : index
    %get3A_39 = arith.constant 0 : index
    %get3A_40 = vector.load %arg4[%get3A_37, %get3A_38, %get3A_39] : memref<2x2x1024xi32, #tpu.memory_space<vmem>>, vector<1x1x1024xi32>
    %get3A_41 = vector.shape_cast %get3A_40 : vector<1x1x1024xi32> to vector<1x1024xi32>
    %concatenate3A_42 = tpu.concatenate %get3A_41, %get3A_36 in 1 : vector<1x1024xi32>, vector<1x1024xi32> -> vector<1x2048xi32>
    %eq3A_43 = vector.broadcast %concatenate3A_42 : vector<1x2048xi32> to vector<512x2048xi32>
    %eq3A_44 = arith.cmpi eq, %eq3A_43, %iota3A : vector<512x2048xi32>
    %convert_element_type3A_45 = arith.extui %eq3A_44 : vector<512x2048xi1> to vector<512x2048xi32>
    %convert_element_type3A_46 = arith.sitofp %convert_element_type3A_45 : vector<512x2048xi32> to vector<512x2048xf32>
    %convert_element_type3A_47 = arith.truncf %convert_element_type3A_46 : vector<512x2048xf32> to vector<512x2048xbf16>
    %get3A_48 = arith.constant 1 : index
    %get3A_49 = arith.constant 1 : index
    %get3A_50 = arith.constant 0 : index
    %get3A_51 = vector.load %arg3[%get3A_48, %get3A_49, %get3A_50] : memref<2x2x1024xi32, #tpu.memory_space<vmem>>, vector<1x1x1024xi32>
    %get3A_52 = vector.shape_cast %get3A_51 : vector<1x1x1024xi32> to vector<1x1024xi32>
    %get3A_53 = arith.constant 1 : index
    %get3A_54 = arith.constant 1 : index
    %get3A_55 = arith.constant 0 : index
    %get3A_56 = vector.load %arg4[%get3A_53, %get3A_54, %get3A_55] : memref<2x2x1024xi32, #tpu.memory_space<vmem>>, vector<1x1x1024xi32>
    %get3A_57 = vector.shape_cast %get3A_56 : vector<1x1x1024xi32> to vector<1x1024xi32>
    %concatenate3A_58 = tpu.concatenate %get3A_57, %get3A_52 in 1 : vector<1x1024xi32>, vector<1x1024xi32> -> vector<1x2048xi32>
    %eq3A_59 = vector.broadcast %concatenate3A_58 : vector<1x2048xi32> to vector<512x2048xi32>
    %eq3A_60 = arith.cmpi eq, %eq3A_59, %iota3A : vector<512x2048xi32>
    %convert_element_type3A_61 = arith.extui %eq3A_60 : vector<512x2048xi1> to vector<512x2048xi32>
    %convert_element_type3A_62 = arith.sitofp %convert_element_type3A_61 : vector<512x2048xi32> to vector<512x2048xf32>
    %convert_element_type3A_63 = arith.truncf %convert_element_type3A_62 : vector<512x2048xf32> to vector<512x2048xbf16>
    %get3A_64 = arith.constant 0 : index
    %get3A_65 = arith.constant 0 : index
    %get3A_66 = vector.load %arg1[%get3A_64, %get3A_65] : memref<2048x128xf32, #tpu.memory_space<vmem>>, vector<2048x128xf32>
    %get3A_67 = arith.constant 0 : index
    %get3A_68 = arith.constant 0 : index
    %get3A_69 = vector.load %arg2[%get3A_67, %get3A_68] : memref<4096x128xf32, #tpu.memory_space<vmem>>, vector<4096x128xf32>
    %get3A_70 = arith.constant 0 : index
    %get3A_71 = arith.constant 0 : index
    %get3A_72 = arith.constant 0 : index
    %get3A_73 = vector.load %arg5[%get3A_70, %get3A_71, %get3A_72] : memref<2x2x2xf32, #tpu.memory_space<vmem>>, vector<2x2x2xf32>
    %reshape3A = vector.shape_cast %get3A_73 : vector<2x2x2xf32> to vector<4x2xf32>
    %get3A_74 = arith.constant 0 : index
    %get3A_75 = arith.constant 0 : index
    %get3A_76 = vector.load %arg7[%get3A_74, %get3A_75] : memref<2x128xf32, #tpu.memory_space<vmem>>, vector<2x128xf32>
    %dot_general3A = arith.constant dense<0.000000e+00> : vector<4x128xf32>
    %dot_general3A_77 = tpu.matmul %reshape3A, %get3A_76, %dot_general3A {dimension_numbers = #tpu.dot_dimension_numbers<[1], [0], [0], [1], [0, 0, 1, 1], [], []>, transpose_lhs_hint = false} : vector<4x2xf32>, vector<2x128xf32>, vector<4x128xf32> -> vector<4x128xf32>
    %get3A_78 = arith.constant 0 : index
    %get3A_79 = arith.constant 0 : index
    %get3A_80 = vector.load %arg8[%get3A_78, %get3A_79] : memref<1x128xf32, #tpu.memory_space<vmem>>, vector<1x128xf32>
    %add3A = vector.broadcast %get3A_80 : vector<1x128xf32> to vector<4x128xf32>
    %add3A_81 = arith.addf %dot_general3A_77, %add3A : vector<4x128xf32>
    %max3A = arith.constant 0.000000e+00 : f32
    %max3A_82 = vector.broadcast %max3A : f32 to vector<4x128xf32>
    %max3A_83 = arith.maximumf %add3A_81, %max3A_82 : vector<4x128xf32>
    %slice3A = vector.extract_strided_slice %get3A_66 {offsets = [0, 0], sizes = [512, 128], strides = [1, 1]} : vector<2048x128xf32> to vector<512x128xf32>
    %reduce_sum3A = arith.constant dense<0.000000e+00> : vector<128xf32>
    %reduce_sum3A_84 = vector.multi_reduction <add>, %slice3A, %reduce_sum3A [0] : vector<512x128xf32> to vector<128xf32>
    %broadcast_in_dim3A = vector.shape_cast %reduce_sum3A_84 : vector<128xf32> to vector<1x128xf32>
    %div3A = arith.constant 5.120000e+02 : f32
    %div3A_85 = vector.broadcast %div3A : f32 to vector<1x128xf32>
    %div3A_86 = arith.divf %broadcast_in_dim3A, %div3A_85 : vector<1x128xf32>
    %slice3A_87 = vector.extract_strided_slice %get3A_66 {offsets = [512, 0], sizes = [512, 128], strides = [1, 1]} : vector<2048x128xf32> to vector<512x128xf32>
    %reduce_sum3A_88 = arith.constant dense<0.000000e+00> : vector<128xf32>
    %reduce_sum3A_89 = vector.multi_reduction <add>, %slice3A_87, %reduce_sum3A_88 [0] : vector<512x128xf32> to vector<128xf32>
    %broadcast_in_dim3A_90 = vector.shape_cast %reduce_sum3A_89 : vector<128xf32> to vector<1x128xf32>
    %div3A_91 = arith.constant 5.120000e+02 : f32
    %div3A_92 = vector.broadcast %div3A_91 : f32 to vector<1x128xf32>
    %div3A_93 = arith.divf %broadcast_in_dim3A_90, %div3A_92 : vector<1x128xf32>
    %slice3A_94 = vector.extract_strided_slice %get3A_66 {offsets = [1024, 0], sizes = [512, 128], strides = [1, 1]} : vector<2048x128xf32> to vector<512x128xf32>
    %reduce_sum3A_95 = arith.constant dense<0.000000e+00> : vector<128xf32>
    %reduce_sum3A_96 = vector.multi_reduction <add>, %slice3A_94, %reduce_sum3A_95 [0] : vector<512x128xf32> to vector<128xf32>
    %broadcast_in_dim3A_97 = vector.shape_cast %reduce_sum3A_96 : vector<128xf32> to vector<1x128xf32>
    %div3A_98 = arith.constant 5.120000e+02 : f32
    %div3A_99 = vector.broadcast %div3A_98 : f32 to vector<1x128xf32>
    %div3A_100 = arith.divf %broadcast_in_dim3A_97, %div3A_99 : vector<1x128xf32>
    %slice3A_101 = vector.extract_strided_slice %get3A_66 {offsets = [1536, 0], sizes = [512, 128], strides = [1, 1]} : vector<2048x128xf32> to vector<512x128xf32>
    %reduce_sum3A_102 = arith.constant dense<0.000000e+00> : vector<128xf32>
    %reduce_sum3A_103 = vector.multi_reduction <add>, %slice3A_101, %reduce_sum3A_102 [0] : vector<512x128xf32> to vector<128xf32>
    %broadcast_in_dim3A_104 = vector.shape_cast %reduce_sum3A_103 : vector<128xf32> to vector<1x128xf32>
    %div3A_105 = arith.constant 5.120000e+02 : f32
    %div3A_106 = vector.broadcast %div3A_105 : f32 to vector<1x128xf32>
    %div3A_107 = arith.divf %broadcast_in_dim3A_104, %div3A_106 : vector<1x128xf32>
    %concatenate3A_108 = tpu.concatenate %div3A_86, %div3A_93, %div3A_100, %div3A_107 in 0 : vector<1x128xf32>, vector<1x128xf32>, vector<1x128xf32>, vector<1x128xf32> -> vector<4x128xf32>
    %get3A_109 = arith.constant 0 : index
    %get3A_110 = arith.constant 0 : index
    %get3A_111 = vector.load %arg9[%get3A_109, %get3A_110] : memref<128x128xf32, #tpu.memory_space<vmem>>, vector<128x128xf32>
    %dot_general3A_112 = arith.constant dense<0.000000e+00> : vector<4x128xf32>
    %dot_general3A_113 = tpu.matmul %concatenate3A_108, %get3A_111, %dot_general3A_112 {dimension_numbers = #tpu.dot_dimension_numbers<[1], [0], [0], [1], [0, 0, 1, 1], [], []>, transpose_lhs_hint = false} : vector<4x128xf32>, vector<128x128xf32>, vector<4x128xf32> -> vector<4x128xf32>
    %get3A_114 = arith.constant 0 : index
    %get3A_115 = arith.constant 0 : index
    %get3A_116 = vector.load %arg10[%get3A_114, %get3A_115] : memref<1x128xf32, #tpu.memory_space<vmem>>, vector<1x128xf32>
    %add3A_117 = vector.broadcast %get3A_116 : vector<1x128xf32> to vector<4x128xf32>
    %add3A_118 = arith.addf %dot_general3A_113, %add3A_117 : vector<4x128xf32>
    %max3A_119 = arith.constant 0.000000e+00 : f32
    %max3A_120 = vector.broadcast %max3A_119 : f32 to vector<4x128xf32>
    %max3A_121 = arith.maximumf %add3A_118, %max3A_120 : vector<4x128xf32>
    %get3A_122 = arith.constant 0 : index
    %get3A_123 = arith.constant 0 : index
    %get3A_124 = vector.load %arg11[%get3A_122, %get3A_123] : memref<128x128xf32, #tpu.memory_space<vmem>>, vector<128x128xf32>
    %dot_general3A_125 = arith.constant dense<0.000000e+00> : vector<4x128xf32>
    %dot_general3A_126 = tpu.matmul %max3A_121, %get3A_124, %dot_general3A_125 {dimension_numbers = #tpu.dot_dimension_numbers<[1], [0], [0], [1], [0, 0, 1, 1], [], []>, transpose_lhs_hint = false} : vector<4x128xf32>, vector<128x128xf32>, vector<4x128xf32> -> vector<4x128xf32>
    %get3A_127 = arith.constant 0 : index
    %get3A_128 = arith.constant 0 : index
    %get3A_129 = vector.load %arg12[%get3A_127, %get3A_128] : memref<1x128xf32, #tpu.memory_space<vmem>>, vector<1x128xf32>
    %add3A_130 = vector.broadcast %get3A_129 : vector<1x128xf32> to vector<4x128xf32>
    %add3A_131 = arith.addf %dot_general3A_126, %add3A_130 : vector<4x128xf32>
    %add3A_132 = arith.addf %max3A_83, %add3A_131 : vector<4x128xf32>
    %convert_element_type3A_133 = arith.truncf %get3A_66 : vector<2048x128xf32> to vector<2048x128xbf16>
    %convert_element_type3A_134 = arith.extf %convert_element_type3A_133 : vector<2048x128xbf16> to vector<2048x128xf32>
    %sub3A = arith.subf %get3A_66, %convert_element_type3A_134 : vector<2048x128xf32>
    %convert_element_type3A_135 = arith.truncf %sub3A : vector<2048x128xf32> to vector<2048x128xbf16>
    %concatenate3A_136 = tpu.concatenate %convert_element_type3A_133, %convert_element_type3A_135 in 1 : vector<2048x128xbf16>, vector<2048x128xbf16> -> vector<2048x256xbf16>
    %slice3A_137 = vector.extract_strided_slice %concatenate3A_136 {offsets = [0, 0], sizes = [512, 256], strides = [1, 1]} : vector<2048x256xbf16> to vector<512x256xbf16>
    %dot_general3A_138 = arith.constant dense<0.000000e+00> : vector<2048x256xf32>
    %dot_general3A_139 = tpu.matmul %convert_element_type3A_15, %slice3A_137, %dot_general3A_138 {dimension_numbers = #tpu.dot_dimension_numbers<[0], [0], [1], [1], [0, 1, 1, 1], [], []>, transpose_lhs_hint = false} : vector<512x2048xbf16>, vector<512x256xbf16>, vector<2048x256xf32> -> vector<2048x256xf32>
    %slice3A_140 = vector.extract_strided_slice %dot_general3A_139 {offsets = [0, 0], sizes = [2048, 128], strides = [1, 1]} : vector<2048x256xf32> to vector<2048x128xf32>
    %slice3A_141 = vector.extract_strided_slice %dot_general3A_139 {offsets = [0, 128], sizes = [2048, 128], strides = [1, 1]} : vector<2048x256xf32> to vector<2048x128xf32>
    %add3A_142 = arith.addf %slice3A_140, %slice3A_141 : vector<2048x128xf32>
    %slice3A_143 = vector.extract_strided_slice %add3A_142 {offsets = [0, 0], sizes = [1024, 128], strides = [1, 1]} : vector<2048x128xf32> to vector<1024x128xf32>
    %slice3A_144 = vector.extract_strided_slice %add3A_142 {offsets = [1024, 0], sizes = [1024, 128], strides = [1, 1]} : vector<2048x128xf32> to vector<1024x128xf32>
    %slice3A_145 = vector.extract_strided_slice %concatenate3A_136 {offsets = [512, 0], sizes = [512, 256], strides = [1, 1]} : vector<2048x256xbf16> to vector<512x256xbf16>
    %dot_general3A_146 = arith.constant dense<0.000000e+00> : vector<2048x256xf32>
    %dot_general3A_147 = tpu.matmul %convert_element_type3A_31, %slice3A_145, %dot_general3A_146 {dimension_numbers = #tpu.dot_dimension_numbers<[0], [0], [1], [1], [0, 1, 1, 1], [], []>, transpose_lhs_hint = false} : vector<512x2048xbf16>, vector<512x256xbf16>, vector<2048x256xf32> -> vector<2048x256xf32>
    %slice3A_148 = vector.extract_strided_slice %dot_general3A_147 {offsets = [0, 0], sizes = [2048, 128], strides = [1, 1]} : vector<2048x256xf32> to vector<2048x128xf32>
    %slice3A_149 = vector.extract_strided_slice %dot_general3A_147 {offsets = [0, 128], sizes = [2048, 128], strides = [1, 1]} : vector<2048x256xf32> to vector<2048x128xf32>
    %add3A_150 = arith.addf %slice3A_148, %slice3A_149 : vector<2048x128xf32>
    %slice3A_151 = vector.extract_strided_slice %add3A_150 {offsets = [0, 0], sizes = [1024, 128], strides = [1, 1]} : vector<2048x128xf32> to vector<1024x128xf32>
    %slice3A_152 = vector.extract_strided_slice %add3A_150 {offsets = [1024, 0], sizes = [1024, 128], strides = [1, 1]} : vector<2048x128xf32> to vector<1024x128xf32>
    %slice3A_153 = vector.extract_strided_slice %concatenate3A_136 {offsets = [1024, 0], sizes = [512, 256], strides = [1, 1]} : vector<2048x256xbf16> to vector<512x256xbf16>
    %dot_general3A_154 = arith.constant dense<0.000000e+00> : vector<2048x256xf32>
    %dot_general3A_155 = tpu.matmul %convert_element_type3A_47, %slice3A_153, %dot_general3A_154 {dimension_numbers = #tpu.dot_dimension_numbers<[0], [0], [1], [1], [0, 1, 1, 1], [], []>, transpose_lhs_hint = false} : vector<512x2048xbf16>, vector<512x256xbf16>, vector<2048x256xf32> -> vector<2048x256xf32>
    %slice3A_156 = vector.extract_strided_slice %dot_general3A_155 {offsets = [0, 0], sizes = [2048, 128], strides = [1, 1]} : vector<2048x256xf32> to vector<2048x128xf32>
    %slice3A_157 = vector.extract_strided_slice %dot_general3A_155 {offsets = [0, 128], sizes = [2048, 128], strides = [1, 1]} : vector<2048x256xf32> to vector<2048x128xf32>
    %add3A_158 = arith.addf %slice3A_156, %slice3A_157 : vector<2048x128xf32>
    %slice3A_159 = vector.extract_strided_slice %add3A_158 {offsets = [0, 0], sizes = [1024, 128], strides = [1, 1]} : vector<2048x128xf32> to vector<1024x128xf32>
    %slice3A_160 = vector.extract_strided_slice %add3A_158 {offsets = [1024, 0], sizes = [1024, 128], strides = [1, 1]} : vector<2048x128xf32> to vector<1024x128xf32>
    %slice3A_161 = vector.extract_strided_slice %concatenate3A_136 {offsets = [1536, 0], sizes = [512, 256], strides = [1, 1]} : vector<2048x256xbf16> to vector<512x256xbf16>
    %dot_general3A_162 = arith.constant dense<0.000000e+00> : vector<2048x256xf32>
    %dot_general3A_163 = tpu.matmul %convert_element_type3A_63, %slice3A_161, %dot_general3A_162 {dimension_numbers = #tpu.dot_dimension_numbers<[0], [0], [1], [1], [0, 1, 1, 1], [], []>, transpose_lhs_hint = false} : vector<512x2048xbf16>, vector<512x256xbf16>, vector<2048x256xf32> -> vector<2048x256xf32>
    %slice3A_164 = vector.extract_strided_slice %dot_general3A_163 {offsets = [0, 0], sizes = [2048, 128], strides = [1, 1]} : vector<2048x256xf32> to vector<2048x128xf32>
    %slice3A_165 = vector.extract_strided_slice %dot_general3A_163 {offsets = [0, 128], sizes = [2048, 128], strides = [1, 1]} : vector<2048x256xf32> to vector<2048x128xf32>
    %add3A_166 = arith.addf %slice3A_164, %slice3A_165 : vector<2048x128xf32>
    %slice3A_167 = vector.extract_strided_slice %add3A_166 {offsets = [0, 0], sizes = [1024, 128], strides = [1, 1]} : vector<2048x128xf32> to vector<1024x128xf32>
    %slice3A_168 = vector.extract_strided_slice %add3A_166 {offsets = [1024, 0], sizes = [1024, 128], strides = [1, 1]} : vector<2048x128xf32> to vector<1024x128xf32>
    %concatenate3A_169 = tpu.concatenate %slice3A_143, %slice3A_151, %slice3A_159, %slice3A_167 in 0 : vector<1024x128xf32>, vector<1024x128xf32>, vector<1024x128xf32>, vector<1024x128xf32> -> vector<4096x128xf32>
    %concatenate3A_170 = tpu.concatenate %slice3A_144, %slice3A_152, %slice3A_160, %slice3A_168 in 0 : vector<1024x128xf32>, vector<1024x128xf32>, vector<1024x128xf32>, vector<1024x128xf32> -> vector<4096x128xf32>
    %get3A_171 = arith.constant 384 : index
    %get3A_172 = arith.constant 0 : index
    %get3A_173 = vector.load %arg13[%get3A_171, %get3A_172] : memref<512x256xf32, #tpu.memory_space<vmem>>, vector<128x256xf32>
    %dot_general3A_174 = arith.constant dense<0.000000e+00> : vector<4x256xf32>
    %dot_general3A_175 = tpu.matmul %add3A_132, %get3A_173, %dot_general3A_174 {dimension_numbers = #tpu.dot_dimension_numbers<[1], [0], [0], [1], [0, 0, 1, 1], [], []>, transpose_lhs_hint = false} : vector<4x128xf32>, vector<128x256xf32>, vector<4x256xf32> -> vector<4x256xf32>
    %get3A_176 = arith.constant 0 : index
    %get3A_177 = arith.constant 0 : index
    %get3A_178 = vector.load %arg14[%get3A_176, %get3A_177] : memref<1x256xf32, #tpu.memory_space<vmem>>, vector<1x256xf32>
    %add3A_179 = vector.broadcast %get3A_178 : vector<1x256xf32> to vector<4x256xf32>
    %add3A_180 = arith.addf %dot_general3A_175, %add3A_179 : vector<4x256xf32>
    %broadcast_in_dim3A_181 = vector.shape_cast %add3A_180 : vector<4x256xf32> to vector<4x1x256xf32>
    %broadcast_in_dim3A_182 = vector.shape_cast %broadcast_in_dim3A_181 : vector<4x1x256xf32> to vector<4x1x256xf32>
    %broadcast_in_dim3A_183 = vector.broadcast %broadcast_in_dim3A_182 : vector<4x1x256xf32> to vector<4x1024x256xf32>
    %reshape3A_184 = vector.shape_cast %broadcast_in_dim3A_183 : vector<4x1024x256xf32> to vector<4096x256xf32>
    %get3A_185 = arith.constant 0 : index
    %get3A_186 = arith.constant 0 : index
    %get3A_187 = vector.load %arg13[%get3A_185, %get3A_186] : memref<512x256xf32, #tpu.memory_space<vmem>>, vector<128x256xf32>
    %dot_general3A_188 = arith.constant dense<0.000000e+00> : vector<4096x256xf32>
    %dot_general3A_189 = tpu.matmul %get3A_69, %get3A_187, %dot_general3A_188 {dimension_numbers = #tpu.dot_dimension_numbers<[1], [0], [0], [1], [0, 0, 1, 1], [], []>, transpose_lhs_hint = false} : vector<4096x128xf32>, vector<128x256xf32>, vector<4096x256xf32> -> vector<4096x256xf32>
    %get3A_190 = arith.constant 128 : index
    %get3A_191 = arith.constant 0 : index
    %get3A_192 = vector.load %arg13[%get3A_190, %get3A_191] : memref<512x256xf32, #tpu.memory_space<vmem>>, vector<128x256xf32>
    %dot_general3A_193 = arith.constant dense<0.000000e+00> : vector<4096x256xf32>
    %dot_general3A_194 = tpu.matmul %concatenate3A_169, %get3A_192, %dot_general3A_193 {dimension_numbers = #tpu.dot_dimension_numbers<[1], [0], [0], [1], [0, 0, 1, 1], [], []>, transpose_lhs_hint = false} : vector<4096x128xf32>, vector<128x256xf32>, vector<4096x256xf32> -> vector<4096x256xf32>
    %add3A_195 = arith.addf %dot_general3A_189, %dot_general3A_194 : vector<4096x256xf32>
    %get3A_196 = arith.constant 256 : index
    %get3A_197 = arith.constant 0 : index
    %get3A_198 = vector.load %arg13[%get3A_196, %get3A_197] : memref<512x256xf32, #tpu.memory_space<vmem>>, vector<128x256xf32>
    %dot_general3A_199 = arith.constant dense<0.000000e+00> : vector<4096x256xf32>
    %dot_general3A_200 = tpu.matmul %concatenate3A_170, %get3A_198, %dot_general3A_199 {dimension_numbers = #tpu.dot_dimension_numbers<[1], [0], [0], [1], [0, 0, 1, 1], [], []>, transpose_lhs_hint = false} : vector<4096x128xf32>, vector<128x256xf32>, vector<4096x256xf32> -> vector<4096x256xf32>
    %add3A_201 = arith.addf %add3A_195, %dot_general3A_200 : vector<4096x256xf32>
    %add3A_202 = arith.addf %add3A_201, %reshape3A_184 : vector<4096x256xf32>
    %max3A_203 = arith.constant 0.000000e+00 : f32
    %max3A_204 = vector.broadcast %max3A_203 : f32 to vector<4096x256xf32>
    %max3A_205 = arith.maximumf %add3A_202, %max3A_204 : vector<4096x256xf32>
    %get3A_206 = arith.constant 0 : index
    %get3A_207 = arith.constant 0 : index
    %get3A_208 = vector.load %arg15[%get3A_206, %get3A_207] : memref<256x128xf32, #tpu.memory_space<vmem>>, vector<256x128xf32>
    %dot_general3A_209 = arith.constant dense<0.000000e+00> : vector<4096x128xf32>
    %dot_general3A_210 = tpu.matmul %max3A_205, %get3A_208, %dot_general3A_209 {dimension_numbers = #tpu.dot_dimension_numbers<[1], [0], [0], [1], [0, 0, 1, 1], [], []>, transpose_lhs_hint = false} : vector<4096x256xf32>, vector<256x128xf32>, vector<4096x128xf32> -> vector<4096x128xf32>
    %add3A_211 = arith.addf %get3A_69, %dot_general3A_210 : vector<4096x128xf32>
    %get3A_212 = arith.constant 0 : index
    %get3A_213 = arith.constant 0 : index
    %get3A_214 = vector.load %arg16[%get3A_212, %get3A_213] : memref<1x128xf32, #tpu.memory_space<vmem>>, vector<1x128xf32>
    %add3A_215 = vector.broadcast %get3A_214 : vector<1x128xf32> to vector<4096x128xf32>
    %add3A_216 = arith.addf %add3A_211, %add3A_215 : vector<4096x128xf32>
    %get3A_217 = arith.constant 256 : index
    %get3A_218 = arith.constant 0 : index
    %get3A_219 = vector.load %arg17[%get3A_217, %get3A_218] : memref<384x256xf32, #tpu.memory_space<vmem>>, vector<128x256xf32>
    %dot_general3A_220 = arith.constant dense<0.000000e+00> : vector<4x256xf32>
    %dot_general3A_221 = tpu.matmul %add3A_132, %get3A_219, %dot_general3A_220 {dimension_numbers = #tpu.dot_dimension_numbers<[1], [0], [0], [1], [0, 0, 1, 1], [], []>, transpose_lhs_hint = false} : vector<4x128xf32>, vector<128x256xf32>, vector<4x256xf32> -> vector<4x256xf32>
    %get3A_222 = arith.constant 0 : index
    %get3A_223 = arith.constant 0 : index
    %get3A_224 = vector.load %arg18[%get3A_222, %get3A_223] : memref<1x256xf32, #tpu.memory_space<vmem>>, vector<1x256xf32>
    %add3A_225 = vector.broadcast %get3A_224 : vector<1x256xf32> to vector<4x256xf32>
    %add3A_226 = arith.addf %dot_general3A_221, %add3A_225 : vector<4x256xf32>
    %broadcast_in_dim3A_227 = vector.shape_cast %add3A_226 : vector<4x256xf32> to vector<4x1x256xf32>
    %broadcast_in_dim3A_228 = vector.shape_cast %broadcast_in_dim3A_227 : vector<4x1x256xf32> to vector<4x1x256xf32>
    %broadcast_in_dim3A_229 = vector.broadcast %broadcast_in_dim3A_228 : vector<4x1x256xf32> to vector<4x1024x256xf32>
    %reshape3A_230 = vector.shape_cast %broadcast_in_dim3A_229 : vector<4x1024x256xf32> to vector<4096x256xf32>
    %get3A_231 = arith.constant 0 : index
    %get3A_232 = arith.constant 0 : index
    %get3A_233 = vector.load %arg17[%get3A_231, %get3A_232] : memref<384x256xf32, #tpu.memory_space<vmem>>, vector<128x256xf32>
    %dot_general3A_234 = arith.constant dense<0.000000e+00> : vector<4096x256xf32>
    %dot_general3A_235 = tpu.matmul %concatenate3A_169, %get3A_233, %dot_general3A_234 {dimension_numbers = #tpu.dot_dimension_numbers<[1], [0], [0], [1], [0, 0, 1, 1], [], []>, transpose_lhs_hint = false} : vector<4096x128xf32>, vector<128x256xf32>, vector<4096x256xf32> -> vector<4096x256xf32>
    %get3A_236 = arith.constant 128 : index
    %get3A_237 = arith.constant 0 : index
    %get3A_238 = vector.load %arg17[%get3A_236, %get3A_237] : memref<384x256xf32, #tpu.memory_space<vmem>>, vector<128x256xf32>
    %dot_general3A_239 = arith.constant dense<0.000000e+00> : vector<4096x256xf32>
    %dot_general3A_240 = tpu.matmul %add3A_216, %get3A_238, %dot_general3A_239 {dimension_numbers = #tpu.dot_dimension_numbers<[1], [0], [0], [1], [0, 0, 1, 1], [], []>, transpose_lhs_hint = false} : vector<4096x128xf32>, vector<128x256xf32>, vector<4096x256xf32> -> vector<4096x256xf32>
    %add3A_241 = arith.addf %dot_general3A_235, %dot_general3A_240 : vector<4096x256xf32>
    %add3A_242 = arith.addf %add3A_241, %reshape3A_230 : vector<4096x256xf32>
    %max3A_243 = arith.constant 0.000000e+00 : f32
    %max3A_244 = vector.broadcast %max3A_243 : f32 to vector<4096x256xf32>
    %max3A_245 = arith.maximumf %add3A_242, %max3A_244 : vector<4096x256xf32>
    %get3A_246 = arith.constant 0 : index
    %get3A_247 = arith.constant 0 : index
    %get3A_248 = vector.load %arg19[%get3A_246, %get3A_247] : memref<256x128xf32, #tpu.memory_space<vmem>>, vector<256x128xf32>
    %dot_general3A_249 = arith.constant dense<0.000000e+00> : vector<4096x128xf32>
    %dot_general3A_250 = tpu.matmul %max3A_245, %get3A_248, %dot_general3A_249 {dimension_numbers = #tpu.dot_dimension_numbers<[1], [0], [0], [1], [0, 0, 1, 1], [], []>, transpose_lhs_hint = false} : vector<4096x256xf32>, vector<256x128xf32>, vector<4096x128xf32> -> vector<4096x128xf32>
    %get3A_251 = arith.constant 0 : index
    %get3A_252 = arith.constant 0 : index
    %get3A_253 = vector.load %arg20[%get3A_251, %get3A_252] : memref<1x128xf32, #tpu.memory_space<vmem>>, vector<1x128xf32>
    %add3A_254 = vector.broadcast %get3A_253 : vector<1x128xf32> to vector<4096x128xf32>
    %add3A_255 = arith.addf %dot_general3A_250, %add3A_254 : vector<4096x128xf32>
    %convert_element_type3A_256 = arith.truncf %add3A_255 : vector<4096x128xf32> to vector<4096x128xbf16>
    %convert_element_type3A_257 = arith.extf %convert_element_type3A_256 : vector<4096x128xbf16> to vector<4096x128xf32>
    %sub3A_258 = arith.subf %add3A_255, %convert_element_type3A_257 : vector<4096x128xf32>
    %convert_element_type3A_259 = arith.truncf %sub3A_258 : vector<4096x128xf32> to vector<4096x128xbf16>
    %concatenate3A_260 = tpu.concatenate %convert_element_type3A_256, %convert_element_type3A_259 in 1 : vector<4096x128xbf16>, vector<4096x128xbf16> -> vector<4096x256xbf16>
    %slice3A_261 = vector.extract_strided_slice %concatenate3A_260 {offsets = [0, 0], sizes = [1024, 256], strides = [1, 1]} : vector<4096x256xbf16> to vector<1024x256xbf16>
    %slice3A_262 = vector.extract_strided_slice %convert_element_type3A_15 {offsets = [0, 1024], sizes = [512, 1024], strides = [1, 1]} : vector<512x2048xbf16> to vector<512x1024xbf16>
    %dot_general3A_263 = arith.constant dense<0.000000e+00> : vector<512x256xf32>
    %dot_general3A_264 = tpu.matmul %slice3A_262, %slice3A_261, %dot_general3A_263 {dimension_numbers = #tpu.dot_dimension_numbers<[1], [0], [0], [1], [0, 0, 1, 1], [], []>, transpose_lhs_hint = false} : vector<512x1024xbf16>, vector<1024x256xbf16>, vector<512x256xf32> -> vector<512x256xf32>
    %slice3A_265 = vector.extract_strided_slice %dot_general3A_264 {offsets = [0, 0], sizes = [512, 128], strides = [1, 1]} : vector<512x256xf32> to vector<512x128xf32>
    %slice3A_266 = vector.extract_strided_slice %dot_general3A_264 {offsets = [0, 128], sizes = [512, 128], strides = [1, 1]} : vector<512x256xf32> to vector<512x128xf32>
    %add3A_267 = arith.addf %slice3A_265, %slice3A_266 : vector<512x128xf32>
    %slice3A_268 = vector.extract_strided_slice %concatenate3A_260 {offsets = [1024, 0], sizes = [1024, 256], strides = [1, 1]} : vector<4096x256xbf16> to vector<1024x256xbf16>
    %slice3A_269 = vector.extract_strided_slice %convert_element_type3A_31 {offsets = [0, 1024], sizes = [512, 1024], strides = [1, 1]} : vector<512x2048xbf16> to vector<512x1024xbf16>
    %dot_general3A_270 = arith.constant dense<0.000000e+00> : vector<512x256xf32>
    %dot_general3A_271 = tpu.matmul %slice3A_269, %slice3A_268, %dot_general3A_270 {dimension_numbers = #tpu.dot_dimension_numbers<[1], [0], [0], [1], [0, 0, 1, 1], [], []>, transpose_lhs_hint = false} : vector<512x1024xbf16>, vector<1024x256xbf16>, vector<512x256xf32> -> vector<512x256xf32>
    %slice3A_272 = vector.extract_strided_slice %dot_general3A_271 {offsets = [0, 0], sizes = [512, 128], strides = [1, 1]} : vector<512x256xf32> to vector<512x128xf32>
    %slice3A_273 = vector.extract_strided_slice %dot_general3A_271 {offsets = [0, 128], sizes = [512, 128], strides = [1, 1]} : vector<512x256xf32> to vector<512x128xf32>
    %add3A_274 = arith.addf %slice3A_272, %slice3A_273 : vector<512x128xf32>
    %slice3A_275 = vector.extract_strided_slice %concatenate3A_260 {offsets = [2048, 0], sizes = [1024, 256], strides = [1, 1]} : vector<4096x256xbf16> to vector<1024x256xbf16>
    %slice3A_276 = vector.extract_strided_slice %convert_element_type3A_47 {offsets = [0, 1024], sizes = [512, 1024], strides = [1, 1]} : vector<512x2048xbf16> to vector<512x1024xbf16>
    %dot_general3A_277 = arith.constant dense<0.000000e+00> : vector<512x256xf32>
    %dot_general3A_278 = tpu.matmul %slice3A_276, %slice3A_275, %dot_general3A_277 {dimension_numbers = #tpu.dot_dimension_numbers<[1], [0], [0], [1], [0, 0, 1, 1], [], []>, transpose_lhs_hint = false} : vector<512x1024xbf16>, vector<1024x256xbf16>, vector<512x256xf32> -> vector<512x256xf32>
    %slice3A_279 = vector.extract_strided_slice %dot_general3A_278 {offsets = [0, 0], sizes = [512, 128], strides = [1, 1]} : vector<512x256xf32> to vector<512x128xf32>
    %slice3A_280 = vector.extract_strided_slice %dot_general3A_278 {offsets = [0, 128], sizes = [512, 128], strides = [1, 1]} : vector<512x256xf32> to vector<512x128xf32>
    %add3A_281 = arith.addf %slice3A_279, %slice3A_280 : vector<512x128xf32>
    %slice3A_282 = vector.extract_strided_slice %concatenate3A_260 {offsets = [3072, 0], sizes = [1024, 256], strides = [1, 1]} : vector<4096x256xbf16> to vector<1024x256xbf16>
    %slice3A_283 = vector.extract_strided_slice %convert_element_type3A_63 {offsets = [0, 1024], sizes = [512, 1024], strides = [1, 1]} : vector<512x2048xbf16> to vector<512x1024xbf16>
    %dot_general3A_284 = arith.constant dense<0.000000e+00> : vector<512x256xf32>
    %dot_general3A_285 = tpu.matmul %slice3A_283, %slice3A_282, %dot_general3A_284 {dimension_numbers = #tpu.dot_dimension_numbers<[1], [0], [0], [1], [0, 0, 1, 1], [], []>, transpose_lhs_hint = false} : vector<512x1024xbf16>, vector<1024x256xbf16>, vector<512x256xf32> -> vector<512x256xf32>
    %slice3A_286 = vector.extract_strided_slice %dot_general3A_285 {offsets = [0, 0], sizes = [512, 128], strides = [1, 1]} : vector<512x256xf32> to vector<512x128xf32>
    %slice3A_287 = vector.extract_strided_slice %dot_general3A_285 {offsets = [0, 128], sizes = [512, 128], strides = [1, 1]} : vector<512x256xf32> to vector<512x128xf32>
    %add3A_288 = arith.addf %slice3A_286, %slice3A_287 : vector<512x128xf32>
    %concatenate3A_289 = tpu.concatenate %add3A_267, %add3A_274, %add3A_281, %add3A_288 in 0 : vector<512x128xf32>, vector<512x128xf32>, vector<512x128xf32>, vector<512x128xf32> -> vector<2048x128xf32>
    %get3A_290 = arith.constant 0 : index
    %get3A_291 = arith.constant 0 : index
    %get3A_292 = vector.load %arg21[%get3A_290, %get3A_291] : memref<128x256xf32, #tpu.memory_space<vmem>>, vector<128x256xf32>
    %dot_general3A_293 = arith.constant dense<0.000000e+00> : vector<2048x256xf32>
    %dot_general3A_294 = tpu.matmul %concatenate3A_289, %get3A_292, %dot_general3A_293 {dimension_numbers = #tpu.dot_dimension_numbers<[1], [0], [0], [1], [0, 0, 1, 1], [], []>, transpose_lhs_hint = false} : vector<2048x128xf32>, vector<128x256xf32>, vector<2048x256xf32> -> vector<2048x256xf32>
    %get3A_295 = arith.constant 0 : index
    %get3A_296 = arith.constant 0 : index
    %get3A_297 = vector.load %arg22[%get3A_295, %get3A_296] : memref<1x256xf32, #tpu.memory_space<vmem>>, vector<1x256xf32>
    %add3A_298 = vector.broadcast %get3A_297 : vector<1x256xf32> to vector<2048x256xf32>
    %add3A_299 = arith.addf %dot_general3A_294, %add3A_298 : vector<2048x256xf32>
    %max3A_300 = arith.constant 0.000000e+00 : f32
    %max3A_301 = vector.broadcast %max3A_300 : f32 to vector<2048x256xf32>
    %max3A_302 = arith.maximumf %add3A_299, %max3A_301 : vector<2048x256xf32>
    %get3A_303 = arith.constant 0 : index
    %get3A_304 = arith.constant 0 : index
    %get3A_305 = vector.load %arg23[%get3A_303, %get3A_304] : memref<256x128xf32, #tpu.memory_space<vmem>>, vector<256x128xf32>
    %dot_general3A_306 = arith.constant dense<0.000000e+00> : vector<2048x128xf32>
    %dot_general3A_307 = tpu.matmul %max3A_302, %get3A_305, %dot_general3A_306 {dimension_numbers = #tpu.dot_dimension_numbers<[1], [0], [0], [1], [0, 0, 1, 1], [], []>, transpose_lhs_hint = false} : vector<2048x256xf32>, vector<256x128xf32>, vector<2048x128xf32> -> vector<2048x128xf32>
    %get3A_308 = arith.constant 0 : index
    %get3A_309 = arith.constant 0 : index
    %get3A_310 = vector.load %arg24[%get3A_308, %get3A_309] : memref<1x128xf32, #tpu.memory_space<vmem>>, vector<1x128xf32>
    %add3A_311 = vector.broadcast %get3A_310 : vector<1x128xf32> to vector<2048x128xf32>
    %add3A_312 = arith.addf %dot_general3A_307, %add3A_311 : vector<2048x128xf32>
    %add3A_313 = arith.addf %get3A_66, %add3A_312 : vector<2048x128xf32>
    %slice3A_314 = vector.extract_strided_slice %add3A_313 {offsets = [0, 0], sizes = [512, 128], strides = [1, 1]} : vector<2048x128xf32> to vector<512x128xf32>
    %reduce_sum3A_315 = arith.constant dense<0.000000e+00> : vector<128xf32>
    %reduce_sum3A_316 = vector.multi_reduction <add>, %slice3A_314, %reduce_sum3A_315 [0] : vector<512x128xf32> to vector<128xf32>
    %broadcast_in_dim3A_317 = vector.shape_cast %reduce_sum3A_316 : vector<128xf32> to vector<1x128xf32>
    %div3A_318 = arith.constant 5.120000e+02 : f32
    %div3A_319 = vector.broadcast %div3A_318 : f32 to vector<1x128xf32>
    %div3A_320 = arith.divf %broadcast_in_dim3A_317, %div3A_319 : vector<1x128xf32>
    %slice3A_321 = vector.extract_strided_slice %add3A_313 {offsets = [512, 0], sizes = [512, 128], strides = [1, 1]} : vector<2048x128xf32> to vector<512x128xf32>
    %reduce_sum3A_322 = arith.constant dense<0.000000e+00> : vector<128xf32>
    %reduce_sum3A_323 = vector.multi_reduction <add>, %slice3A_321, %reduce_sum3A_322 [0] : vector<512x128xf32> to vector<128xf32>
    %broadcast_in_dim3A_324 = vector.shape_cast %reduce_sum3A_323 : vector<128xf32> to vector<1x128xf32>
    %div3A_325 = arith.constant 5.120000e+02 : f32
    %div3A_326 = vector.broadcast %div3A_325 : f32 to vector<1x128xf32>
    %div3A_327 = arith.divf %broadcast_in_dim3A_324, %div3A_326 : vector<1x128xf32>
    %slice3A_328 = vector.extract_strided_slice %add3A_313 {offsets = [1024, 0], sizes = [512, 128], strides = [1, 1]} : vector<2048x128xf32> to vector<512x128xf32>
    %reduce_sum3A_329 = arith.constant dense<0.000000e+00> : vector<128xf32>
    %reduce_sum3A_330 = vector.multi_reduction <add>, %slice3A_328, %reduce_sum3A_329 [0] : vector<512x128xf32> to vector<128xf32>
    %broadcast_in_dim3A_331 = vector.shape_cast %reduce_sum3A_330 : vector<128xf32> to vector<1x128xf32>
    %div3A_332 = arith.constant 5.120000e+02 : f32
    %div3A_333 = vector.broadcast %div3A_332 : f32 to vector<1x128xf32>
    %div3A_334 = arith.divf %broadcast_in_dim3A_331, %div3A_333 : vector<1x128xf32>
    %slice3A_335 = vector.extract_strided_slice %add3A_313 {offsets = [1536, 0], sizes = [512, 128], strides = [1, 1]} : vector<2048x128xf32> to vector<512x128xf32>
    %reduce_sum3A_336 = arith.constant dense<0.000000e+00> : vector<128xf32>
    %reduce_sum3A_337 = vector.multi_reduction <add>, %slice3A_335, %reduce_sum3A_336 [0] : vector<512x128xf32> to vector<128xf32>
    %broadcast_in_dim3A_338 = vector.shape_cast %reduce_sum3A_337 : vector<128xf32> to vector<1x128xf32>
    %div3A_339 = arith.constant 5.120000e+02 : f32
    %div3A_340 = vector.broadcast %div3A_339 : f32 to vector<1x128xf32>
    %div3A_341 = arith.divf %broadcast_in_dim3A_338, %div3A_340 : vector<1x128xf32>
    %concatenate3A_342 = tpu.concatenate %div3A_320, %div3A_327, %div3A_334, %div3A_341 in 0 : vector<1x128xf32>, vector<1x128xf32>, vector<1x128xf32>, vector<1x128xf32> -> vector<4x128xf32>
    %get3A_343 = arith.constant 0 : index
    %get3A_344 = arith.constant 0 : index
    %get3A_345 = vector.load %arg25[%get3A_343, %get3A_344] : memref<128x128xf32, #tpu.memory_space<vmem>>, vector<128x128xf32>
    %dot_general3A_346 = arith.constant dense<0.000000e+00> : vector<4x128xf32>
    %dot_general3A_347 = tpu.matmul %concatenate3A_342, %get3A_345, %dot_general3A_346 {dimension_numbers = #tpu.dot_dimension_numbers<[1], [0], [0], [1], [0, 0, 1, 1], [], []>, transpose_lhs_hint = false} : vector<4x128xf32>, vector<128x128xf32>, vector<4x128xf32> -> vector<4x128xf32>
    %get3A_348 = arith.constant 0 : index
    %get3A_349 = arith.constant 0 : index
    %get3A_350 = vector.load %arg26[%get3A_348, %get3A_349] : memref<1x128xf32, #tpu.memory_space<vmem>>, vector<1x128xf32>
    %add3A_351 = vector.broadcast %get3A_350 : vector<1x128xf32> to vector<4x128xf32>
    %add3A_352 = arith.addf %dot_general3A_347, %add3A_351 : vector<4x128xf32>
    %max3A_353 = arith.constant 0.000000e+00 : f32
    %max3A_354 = vector.broadcast %max3A_353 : f32 to vector<4x128xf32>
    %max3A_355 = arith.maximumf %add3A_352, %max3A_354 : vector<4x128xf32>
    %get3A_356 = arith.constant 0 : index
    %get3A_357 = arith.constant 0 : index
    %get3A_358 = vector.load %arg27[%get3A_356, %get3A_357] : memref<128x128xf32, #tpu.memory_space<vmem>>, vector<128x128xf32>
    %dot_general3A_359 = arith.constant dense<0.000000e+00> : vector<4x128xf32>
    %dot_general3A_360 = tpu.matmul %max3A_355, %get3A_358, %dot_general3A_359 {dimension_numbers = #tpu.dot_dimension_numbers<[1], [0], [0], [1], [0, 0, 1, 1], [], []>, transpose_lhs_hint = false} : vector<4x128xf32>, vector<128x128xf32>, vector<4x128xf32> -> vector<4x128xf32>
    %get3A_361 = arith.constant 0 : index
    %get3A_362 = arith.constant 0 : index
    %get3A_363 = vector.load %arg28[%get3A_361, %get3A_362] : memref<1x128xf32, #tpu.memory_space<vmem>>, vector<1x128xf32>
    %add3A_364 = vector.broadcast %get3A_363 : vector<1x128xf32> to vector<4x128xf32>
    %add3A_365 = arith.addf %dot_general3A_360, %add3A_364 : vector<4x128xf32>
    %add3A_366 = arith.addf %add3A_132, %add3A_365 : vector<4x128xf32>
    %convert_element_type3A_367 = arith.truncf %add3A_313 : vector<2048x128xf32> to vector<2048x128xbf16>
    %convert_element_type3A_368 = arith.extf %convert_element_type3A_367 : vector<2048x128xbf16> to vector<2048x128xf32>
    %sub3A_369 = arith.subf %add3A_313, %convert_element_type3A_368 : vector<2048x128xf32>
    %convert_element_type3A_370 = arith.truncf %sub3A_369 : vector<2048x128xf32> to vector<2048x128xbf16>
    %concatenate3A_371 = tpu.concatenate %convert_element_type3A_367, %convert_element_type3A_370 in 1 : vector<2048x128xbf16>, vector<2048x128xbf16> -> vector<2048x256xbf16>
    %slice3A_372 = vector.extract_strided_slice %concatenate3A_371 {offsets = [0, 0], sizes = [512, 256], strides = [1, 1]} : vector<2048x256xbf16> to vector<512x256xbf16>
    %dot_general3A_373 = arith.constant dense<0.000000e+00> : vector<2048x256xf32>
    %dot_general3A_374 = tpu.matmul %convert_element_type3A_15, %slice3A_372, %dot_general3A_373 {dimension_numbers = #tpu.dot_dimension_numbers<[0], [0], [1], [1], [0, 1, 1, 1], [], []>, transpose_lhs_hint = false} : vector<512x2048xbf16>, vector<512x256xbf16>, vector<2048x256xf32> -> vector<2048x256xf32>
    %slice3A_375 = vector.extract_strided_slice %dot_general3A_374 {offsets = [0, 0], sizes = [2048, 128], strides = [1, 1]} : vector<2048x256xf32> to vector<2048x128xf32>
    %slice3A_376 = vector.extract_strided_slice %dot_general3A_374 {offsets = [0, 128], sizes = [2048, 128], strides = [1, 1]} : vector<2048x256xf32> to vector<2048x128xf32>
    %add3A_377 = arith.addf %slice3A_375, %slice3A_376 : vector<2048x128xf32>
    %slice3A_378 = vector.extract_strided_slice %add3A_377 {offsets = [0, 0], sizes = [1024, 128], strides = [1, 1]} : vector<2048x128xf32> to vector<1024x128xf32>
    %slice3A_379 = vector.extract_strided_slice %add3A_377 {offsets = [1024, 0], sizes = [1024, 128], strides = [1, 1]} : vector<2048x128xf32> to vector<1024x128xf32>
    %slice3A_380 = vector.extract_strided_slice %concatenate3A_371 {offsets = [512, 0], sizes = [512, 256], strides = [1, 1]} : vector<2048x256xbf16> to vector<512x256xbf16>
    %dot_general3A_381 = arith.constant dense<0.000000e+00> : vector<2048x256xf32>
    %dot_general3A_382 = tpu.matmul %convert_element_type3A_31, %slice3A_380, %dot_general3A_381 {dimension_numbers = #tpu.dot_dimension_numbers<[0], [0], [1], [1], [0, 1, 1, 1], [], []>, transpose_lhs_hint = false} : vector<512x2048xbf16>, vector<512x256xbf16>, vector<2048x256xf32> -> vector<2048x256xf32>
    %slice3A_383 = vector.extract_strided_slice %dot_general3A_382 {offsets = [0, 0], sizes = [2048, 128], strides = [1, 1]} : vector<2048x256xf32> to vector<2048x128xf32>
    %slice3A_384 = vector.extract_strided_slice %dot_general3A_382 {offsets = [0, 128], sizes = [2048, 128], strides = [1, 1]} : vector<2048x256xf32> to vector<2048x128xf32>
    %add3A_385 = arith.addf %slice3A_383, %slice3A_384 : vector<2048x128xf32>
    %slice3A_386 = vector.extract_strided_slice %add3A_385 {offsets = [0, 0], sizes = [1024, 128], strides = [1, 1]} : vector<2048x128xf32> to vector<1024x128xf32>
    %slice3A_387 = vector.extract_strided_slice %add3A_385 {offsets = [1024, 0], sizes = [1024, 128], strides = [1, 1]} : vector<2048x128xf32> to vector<1024x128xf32>
    %slice3A_388 = vector.extract_strided_slice %concatenate3A_371 {offsets = [1024, 0], sizes = [512, 256], strides = [1, 1]} : vector<2048x256xbf16> to vector<512x256xbf16>
    %dot_general3A_389 = arith.constant dense<0.000000e+00> : vector<2048x256xf32>
    %dot_general3A_390 = tpu.matmul %convert_element_type3A_47, %slice3A_388, %dot_general3A_389 {dimension_numbers = #tpu.dot_dimension_numbers<[0], [0], [1], [1], [0, 1, 1, 1], [], []>, transpose_lhs_hint = false} : vector<512x2048xbf16>, vector<512x256xbf16>, vector<2048x256xf32> -> vector<2048x256xf32>
    %slice3A_391 = vector.extract_strided_slice %dot_general3A_390 {offsets = [0, 0], sizes = [2048, 128], strides = [1, 1]} : vector<2048x256xf32> to vector<2048x128xf32>
    %slice3A_392 = vector.extract_strided_slice %dot_general3A_390 {offsets = [0, 128], sizes = [2048, 128], strides = [1, 1]} : vector<2048x256xf32> to vector<2048x128xf32>
    %add3A_393 = arith.addf %slice3A_391, %slice3A_392 : vector<2048x128xf32>
    %slice3A_394 = vector.extract_strided_slice %add3A_393 {offsets = [0, 0], sizes = [1024, 128], strides = [1, 1]} : vector<2048x128xf32> to vector<1024x128xf32>
    %slice3A_395 = vector.extract_strided_slice %add3A_393 {offsets = [1024, 0], sizes = [1024, 128], strides = [1, 1]} : vector<2048x128xf32> to vector<1024x128xf32>
    %slice3A_396 = vector.extract_strided_slice %concatenate3A_371 {offsets = [1536, 0], sizes = [512, 256], strides = [1, 1]} : vector<2048x256xbf16> to vector<512x256xbf16>
    %dot_general3A_397 = arith.constant dense<0.000000e+00> : vector<2048x256xf32>
    %dot_general3A_398 = tpu.matmul %convert_element_type3A_63, %slice3A_396, %dot_general3A_397 {dimension_numbers = #tpu.dot_dimension_numbers<[0], [0], [1], [1], [0, 1, 1, 1], [], []>, transpose_lhs_hint = false} : vector<512x2048xbf16>, vector<512x256xbf16>, vector<2048x256xf32> -> vector<2048x256xf32>
    %slice3A_399 = vector.extract_strided_slice %dot_general3A_398 {offsets = [0, 0], sizes = [2048, 128], strides = [1, 1]} : vector<2048x256xf32> to vector<2048x128xf32>
    %slice3A_400 = vector.extract_strided_slice %dot_general3A_398 {offsets = [0, 128], sizes = [2048, 128], strides = [1, 1]} : vector<2048x256xf32> to vector<2048x128xf32>
    %add3A_401 = arith.addf %slice3A_399, %slice3A_400 : vector<2048x128xf32>
    %slice3A_402 = vector.extract_strided_slice %add3A_401 {offsets = [0, 0], sizes = [1024, 128], strides = [1, 1]} : vector<2048x128xf32> to vector<1024x128xf32>
    %slice3A_403 = vector.extract_strided_slice %add3A_401 {offsets = [1024, 0], sizes = [1024, 128], strides = [1, 1]} : vector<2048x128xf32> to vector<1024x128xf32>
    %concatenate3A_404 = tpu.concatenate %slice3A_378, %slice3A_386, %slice3A_394, %slice3A_402 in 0 : vector<1024x128xf32>, vector<1024x128xf32>, vector<1024x128xf32>, vector<1024x128xf32> -> vector<4096x128xf32>
    %concatenate3A_405 = tpu.concatenate %slice3A_379, %slice3A_387, %slice3A_395, %slice3A_403 in 0 : vector<1024x128xf32>, vector<1024x128xf32>, vector<1024x128xf32>, vector<1024x128xf32> -> vector<4096x128xf32>
    %get3A_406 = arith.constant 384 : index
    %get3A_407 = arith.constant 0 : index
    %get3A_408 = vector.load %arg29[%get3A_406, %get3A_407] : memref<512x256xf32, #tpu.memory_space<vmem>>, vector<128x256xf32>
    %dot_general3A_409 = arith.constant dense<0.000000e+00> : vector<4x256xf32>
    %dot_general3A_410 = tpu.matmul %add3A_366, %get3A_408, %dot_general3A_409 {dimension_numbers = #tpu.dot_dimension_numbers<[1], [0], [0], [1], [0, 0, 1, 1], [], []>, transpose_lhs_hint = false} : vector<4x128xf32>, vector<128x256xf32>, vector<4x256xf32> -> vector<4x256xf32>
    %get3A_411 = arith.constant 0 : index
    %get3A_412 = arith.constant 0 : index
    %get3A_413 = vector.load %arg30[%get3A_411, %get3A_412] : memref<1x256xf32, #tpu.memory_space<vmem>>, vector<1x256xf32>
    %add3A_414 = vector.broadcast %get3A_413 : vector<1x256xf32> to vector<4x256xf32>
    %add3A_415 = arith.addf %dot_general3A_410, %add3A_414 : vector<4x256xf32>
    %broadcast_in_dim3A_416 = vector.shape_cast %add3A_415 : vector<4x256xf32> to vector<4x1x256xf32>
    %broadcast_in_dim3A_417 = vector.shape_cast %broadcast_in_dim3A_416 : vector<4x1x256xf32> to vector<4x1x256xf32>
    %broadcast_in_dim3A_418 = vector.broadcast %broadcast_in_dim3A_417 : vector<4x1x256xf32> to vector<4x1024x256xf32>
    %reshape3A_419 = vector.shape_cast %broadcast_in_dim3A_418 : vector<4x1024x256xf32> to vector<4096x256xf32>
    %get3A_420 = arith.constant 0 : index
    %get3A_421 = arith.constant 0 : index
    %get3A_422 = vector.load %arg29[%get3A_420, %get3A_421] : memref<512x256xf32, #tpu.memory_space<vmem>>, vector<128x256xf32>
    %dot_general3A_423 = arith.constant dense<0.000000e+00> : vector<4096x256xf32>
    %dot_general3A_424 = tpu.matmul %add3A_216, %get3A_422, %dot_general3A_423 {dimension_numbers = #tpu.dot_dimension_numbers<[1], [0], [0], [1], [0, 0, 1, 1], [], []>, transpose_lhs_hint = false} : vector<4096x128xf32>, vector<128x256xf32>, vector<4096x256xf32> -> vector<4096x256xf32>
    %get3A_425 = arith.constant 128 : index
    %get3A_426 = arith.constant 0 : index
    %get3A_427 = vector.load %arg29[%get3A_425, %get3A_426] : memref<512x256xf32, #tpu.memory_space<vmem>>, vector<128x256xf32>
    %dot_general3A_428 = arith.constant dense<0.000000e+00> : vector<4096x256xf32>
    %dot_general3A_429 = tpu.matmul %concatenate3A_404, %get3A_427, %dot_general3A_428 {dimension_numbers = #tpu.dot_dimension_numbers<[1], [0], [0], [1], [0, 0, 1, 1], [], []>, transpose_lhs_hint = false} : vector<4096x128xf32>, vector<128x256xf32>, vector<4096x256xf32> -> vector<4096x256xf32>
    %add3A_430 = arith.addf %dot_general3A_424, %dot_general3A_429 : vector<4096x256xf32>
    %get3A_431 = arith.constant 256 : index
    %get3A_432 = arith.constant 0 : index
    %get3A_433 = vector.load %arg29[%get3A_431, %get3A_432] : memref<512x256xf32, #tpu.memory_space<vmem>>, vector<128x256xf32>
    %dot_general3A_434 = arith.constant dense<0.000000e+00> : vector<4096x256xf32>
    %dot_general3A_435 = tpu.matmul %concatenate3A_405, %get3A_433, %dot_general3A_434 {dimension_numbers = #tpu.dot_dimension_numbers<[1], [0], [0], [1], [0, 0, 1, 1], [], []>, transpose_lhs_hint = false} : vector<4096x128xf32>, vector<128x256xf32>, vector<4096x256xf32> -> vector<4096x256xf32>
    %add3A_436 = arith.addf %add3A_430, %dot_general3A_435 : vector<4096x256xf32>
    %add3A_437 = arith.addf %add3A_436, %reshape3A_419 : vector<4096x256xf32>
    %max3A_438 = arith.constant 0.000000e+00 : f32
    %max3A_439 = vector.broadcast %max3A_438 : f32 to vector<4096x256xf32>
    %max3A_440 = arith.maximumf %add3A_437, %max3A_439 : vector<4096x256xf32>
    %get3A_441 = arith.constant 0 : index
    %get3A_442 = arith.constant 0 : index
    %get3A_443 = vector.load %arg31[%get3A_441, %get3A_442] : memref<256x128xf32, #tpu.memory_space<vmem>>, vector<256x128xf32>
    %dot_general3A_444 = arith.constant dense<0.000000e+00> : vector<4096x128xf32>
    %dot_general3A_445 = tpu.matmul %max3A_440, %get3A_443, %dot_general3A_444 {dimension_numbers = #tpu.dot_dimension_numbers<[1], [0], [0], [1], [0, 0, 1, 1], [], []>, transpose_lhs_hint = false} : vector<4096x256xf32>, vector<256x128xf32>, vector<4096x128xf32> -> vector<4096x128xf32>
    %add3A_446 = arith.addf %add3A_216, %dot_general3A_445 : vector<4096x128xf32>
    %get3A_447 = arith.constant 0 : index
    %get3A_448 = arith.constant 0 : index
    %get3A_449 = vector.load %arg32[%get3A_447, %get3A_448] : memref<1x128xf32, #tpu.memory_space<vmem>>, vector<1x128xf32>
    %add3A_450 = vector.broadcast %get3A_449 : vector<1x128xf32> to vector<4096x128xf32>
    %add3A_451 = arith.addf %add3A_446, %add3A_450 : vector<4096x128xf32>
    %get3A_452 = arith.constant 256 : index
    %get3A_453 = arith.constant 0 : index
    %get3A_454 = vector.load %arg33[%get3A_452, %get3A_453] : memref<384x256xf32, #tpu.memory_space<vmem>>, vector<128x256xf32>
    %dot_general3A_455 = arith.constant dense<0.000000e+00> : vector<4x256xf32>
    %dot_general3A_456 = tpu.matmul %add3A_366, %get3A_454, %dot_general3A_455 {dimension_numbers = #tpu.dot_dimension_numbers<[1], [0], [0], [1], [0, 0, 1, 1], [], []>, transpose_lhs_hint = false} : vector<4x128xf32>, vector<128x256xf32>, vector<4x256xf32> -> vector<4x256xf32>
    %get3A_457 = arith.constant 0 : index
    %get3A_458 = arith.constant 0 : index
    %get3A_459 = vector.load %arg34[%get3A_457, %get3A_458] : memref<1x256xf32, #tpu.memory_space<vmem>>, vector<1x256xf32>
    %add3A_460 = vector.broadcast %get3A_459 : vector<1x256xf32> to vector<4x256xf32>
    %add3A_461 = arith.addf %dot_general3A_456, %add3A_460 : vector<4x256xf32>
    %broadcast_in_dim3A_462 = vector.shape_cast %add3A_461 : vector<4x256xf32> to vector<4x1x256xf32>
    %broadcast_in_dim3A_463 = vector.shape_cast %broadcast_in_dim3A_462 : vector<4x1x256xf32> to vector<4x1x256xf32>
    %broadcast_in_dim3A_464 = vector.broadcast %broadcast_in_dim3A_463 : vector<4x1x256xf32> to vector<4x1024x256xf32>
    %reshape3A_465 = vector.shape_cast %broadcast_in_dim3A_464 : vector<4x1024x256xf32> to vector<4096x256xf32>
    %get3A_466 = arith.constant 0 : index
    %get3A_467 = arith.constant 0 : index
    %get3A_468 = vector.load %arg33[%get3A_466, %get3A_467] : memref<384x256xf32, #tpu.memory_space<vmem>>, vector<128x256xf32>
    %dot_general3A_469 = arith.constant dense<0.000000e+00> : vector<4096x256xf32>
    %dot_general3A_470 = tpu.matmul %concatenate3A_404, %get3A_468, %dot_general3A_469 {dimension_numbers = #tpu.dot_dimension_numbers<[1], [0], [0], [1], [0, 0, 1, 1], [], []>, transpose_lhs_hint = false} : vector<4096x128xf32>, vector<128x256xf32>, vector<4096x256xf32> -> vector<4096x256xf32>
    %get3A_471 = arith.constant 128 : index
    %get3A_472 = arith.constant 0 : index
    %get3A_473 = vector.load %arg33[%get3A_471, %get3A_472] : memref<384x256xf32, #tpu.memory_space<vmem>>, vector<128x256xf32>
    %dot_general3A_474 = arith.constant dense<0.000000e+00> : vector<4096x256xf32>
    %dot_general3A_475 = tpu.matmul %add3A_451, %get3A_473, %dot_general3A_474 {dimension_numbers = #tpu.dot_dimension_numbers<[1], [0], [0], [1], [0, 0, 1, 1], [], []>, transpose_lhs_hint = false} : vector<4096x128xf32>, vector<128x256xf32>, vector<4096x256xf32> -> vector<4096x256xf32>
    %add3A_476 = arith.addf %dot_general3A_470, %dot_general3A_475 : vector<4096x256xf32>
    %add3A_477 = arith.addf %add3A_476, %reshape3A_465 : vector<4096x256xf32>
    %max3A_478 = arith.constant 0.000000e+00 : f32
    %max3A_479 = vector.broadcast %max3A_478 : f32 to vector<4096x256xf32>
    %max3A_480 = arith.maximumf %add3A_477, %max3A_479 : vector<4096x256xf32>
    %get3A_481 = arith.constant 0 : index
    %get3A_482 = arith.constant 0 : index
    %get3A_483 = vector.load %arg35[%get3A_481, %get3A_482] : memref<256x128xf32, #tpu.memory_space<vmem>>, vector<256x128xf32>
    %dot_general3A_484 = arith.constant dense<0.000000e+00> : vector<4096x128xf32>
    %dot_general3A_485 = tpu.matmul %max3A_480, %get3A_483, %dot_general3A_484 {dimension_numbers = #tpu.dot_dimension_numbers<[1], [0], [0], [1], [0, 0, 1, 1], [], []>, transpose_lhs_hint = false} : vector<4096x256xf32>, vector<256x128xf32>, vector<4096x128xf32> -> vector<4096x128xf32>
    %get3A_486 = arith.constant 0 : index
    %get3A_487 = arith.constant 0 : index
    %get3A_488 = vector.load %arg36[%get3A_486, %get3A_487] : memref<1x128xf32, #tpu.memory_space<vmem>>, vector<1x128xf32>
    %add3A_489 = vector.broadcast %get3A_488 : vector<1x128xf32> to vector<4096x128xf32>
    %add3A_490 = arith.addf %dot_general3A_485, %add3A_489 : vector<4096x128xf32>
    %convert_element_type3A_491 = arith.truncf %add3A_490 : vector<4096x128xf32> to vector<4096x128xbf16>
    %convert_element_type3A_492 = arith.extf %convert_element_type3A_491 : vector<4096x128xbf16> to vector<4096x128xf32>
    %sub3A_493 = arith.subf %add3A_490, %convert_element_type3A_492 : vector<4096x128xf32>
    %convert_element_type3A_494 = arith.truncf %sub3A_493 : vector<4096x128xf32> to vector<4096x128xbf16>
    %concatenate3A_495 = tpu.concatenate %convert_element_type3A_491, %convert_element_type3A_494 in 1 : vector<4096x128xbf16>, vector<4096x128xbf16> -> vector<4096x256xbf16>
    %slice3A_496 = vector.extract_strided_slice %concatenate3A_495 {offsets = [0, 0], sizes = [1024, 256], strides = [1, 1]} : vector<4096x256xbf16> to vector<1024x256xbf16>
    %slice3A_497 = vector.extract_strided_slice %convert_element_type3A_15 {offsets = [0, 1024], sizes = [512, 1024], strides = [1, 1]} : vector<512x2048xbf16> to vector<512x1024xbf16>
    %dot_general3A_498 = arith.constant dense<0.000000e+00> : vector<512x256xf32>
    %dot_general3A_499 = tpu.matmul %slice3A_497, %slice3A_496, %dot_general3A_498 {dimension_numbers = #tpu.dot_dimension_numbers<[1], [0], [0], [1], [0, 0, 1, 1], [], []>, transpose_lhs_hint = false} : vector<512x1024xbf16>, vector<1024x256xbf16>, vector<512x256xf32> -> vector<512x256xf32>
    %slice3A_500 = vector.extract_strided_slice %dot_general3A_499 {offsets = [0, 0], sizes = [512, 128], strides = [1, 1]} : vector<512x256xf32> to vector<512x128xf32>
    %slice3A_501 = vector.extract_strided_slice %dot_general3A_499 {offsets = [0, 128], sizes = [512, 128], strides = [1, 1]} : vector<512x256xf32> to vector<512x128xf32>
    %add3A_502 = arith.addf %slice3A_500, %slice3A_501 : vector<512x128xf32>
    %slice3A_503 = vector.extract_strided_slice %concatenate3A_495 {offsets = [1024, 0], sizes = [1024, 256], strides = [1, 1]} : vector<4096x256xbf16> to vector<1024x256xbf16>
    %slice3A_504 = vector.extract_strided_slice %convert_element_type3A_31 {offsets = [0, 1024], sizes = [512, 1024], strides = [1, 1]} : vector<512x2048xbf16> to vector<512x1024xbf16>
    %dot_general3A_505 = arith.constant dense<0.000000e+00> : vector<512x256xf32>
    %dot_general3A_506 = tpu.matmul %slice3A_504, %slice3A_503, %dot_general3A_505 {dimension_numbers = #tpu.dot_dimension_numbers<[1], [0], [0], [1], [0, 0, 1, 1], [], []>, transpose_lhs_hint = false} : vector<512x1024xbf16>, vector<1024x256xbf16>, vector<512x256xf32> -> vector<512x256xf32>
    %slice3A_507 = vector.extract_strided_slice %dot_general3A_506 {offsets = [0, 0], sizes = [512, 128], strides = [1, 1]} : vector<512x256xf32> to vector<512x128xf32>
    %slice3A_508 = vector.extract_strided_slice %dot_general3A_506 {offsets = [0, 128], sizes = [512, 128], strides = [1, 1]} : vector<512x256xf32> to vector<512x128xf32>
    %add3A_509 = arith.addf %slice3A_507, %slice3A_508 : vector<512x128xf32>
    %slice3A_510 = vector.extract_strided_slice %concatenate3A_495 {offsets = [2048, 0], sizes = [1024, 256], strides = [1, 1]} : vector<4096x256xbf16> to vector<1024x256xbf16>
    %slice3A_511 = vector.extract_strided_slice %convert_element_type3A_47 {offsets = [0, 1024], sizes = [512, 1024], strides = [1, 1]} : vector<512x2048xbf16> to vector<512x1024xbf16>
    %dot_general3A_512 = arith.constant dense<0.000000e+00> : vector<512x256xf32>
    %dot_general3A_513 = tpu.matmul %slice3A_511, %slice3A_510, %dot_general3A_512 {dimension_numbers = #tpu.dot_dimension_numbers<[1], [0], [0], [1], [0, 0, 1, 1], [], []>, transpose_lhs_hint = false} : vector<512x1024xbf16>, vector<1024x256xbf16>, vector<512x256xf32> -> vector<512x256xf32>
    %slice3A_514 = vector.extract_strided_slice %dot_general3A_513 {offsets = [0, 0], sizes = [512, 128], strides = [1, 1]} : vector<512x256xf32> to vector<512x128xf32>
    %slice3A_515 = vector.extract_strided_slice %dot_general3A_513 {offsets = [0, 128], sizes = [512, 128], strides = [1, 1]} : vector<512x256xf32> to vector<512x128xf32>
    %add3A_516 = arith.addf %slice3A_514, %slice3A_515 : vector<512x128xf32>
    %slice3A_517 = vector.extract_strided_slice %concatenate3A_495 {offsets = [3072, 0], sizes = [1024, 256], strides = [1, 1]} : vector<4096x256xbf16> to vector<1024x256xbf16>
    %slice3A_518 = vector.extract_strided_slice %convert_element_type3A_63 {offsets = [0, 1024], sizes = [512, 1024], strides = [1, 1]} : vector<512x2048xbf16> to vector<512x1024xbf16>
    %dot_general3A_519 = arith.constant dense<0.000000e+00> : vector<512x256xf32>
    %dot_general3A_520 = tpu.matmul %slice3A_518, %slice3A_517, %dot_general3A_519 {dimension_numbers = #tpu.dot_dimension_numbers<[1], [0], [0], [1], [0, 0, 1, 1], [], []>, transpose_lhs_hint = false} : vector<512x1024xbf16>, vector<1024x256xbf16>, vector<512x256xf32> -> vector<512x256xf32>
    %slice3A_521 = vector.extract_strided_slice %dot_general3A_520 {offsets = [0, 0], sizes = [512, 128], strides = [1, 1]} : vector<512x256xf32> to vector<512x128xf32>
    %slice3A_522 = vector.extract_strided_slice %dot_general3A_520 {offsets = [0, 128], sizes = [512, 128], strides = [1, 1]} : vector<512x256xf32> to vector<512x128xf32>
    %add3A_523 = arith.addf %slice3A_521, %slice3A_522 : vector<512x128xf32>
    %concatenate3A_524 = tpu.concatenate %add3A_502, %add3A_509, %add3A_516, %add3A_523 in 0 : vector<512x128xf32>, vector<512x128xf32>, vector<512x128xf32>, vector<512x128xf32> -> vector<2048x128xf32>
    %get3A_525 = arith.constant 0 : index
    %get3A_526 = arith.constant 0 : index
    %get3A_527 = vector.load %arg37[%get3A_525, %get3A_526] : memref<128x256xf32, #tpu.memory_space<vmem>>, vector<128x256xf32>
    %dot_general3A_528 = arith.constant dense<0.000000e+00> : vector<2048x256xf32>
    %dot_general3A_529 = tpu.matmul %concatenate3A_524, %get3A_527, %dot_general3A_528 {dimension_numbers = #tpu.dot_dimension_numbers<[1], [0], [0], [1], [0, 0, 1, 1], [], []>, transpose_lhs_hint = false} : vector<2048x128xf32>, vector<128x256xf32>, vector<2048x256xf32> -> vector<2048x256xf32>
    %get3A_530 = arith.constant 0 : index
    %get3A_531 = arith.constant 0 : index
    %get3A_532 = vector.load %arg38[%get3A_530, %get3A_531] : memref<1x256xf32, #tpu.memory_space<vmem>>, vector<1x256xf32>
    %add3A_533 = vector.broadcast %get3A_532 : vector<1x256xf32> to vector<2048x256xf32>
    %add3A_534 = arith.addf %dot_general3A_529, %add3A_533 : vector<2048x256xf32>
    %max3A_535 = arith.constant 0.000000e+00 : f32
    %max3A_536 = vector.broadcast %max3A_535 : f32 to vector<2048x256xf32>
    %max3A_537 = arith.maximumf %add3A_534, %max3A_536 : vector<2048x256xf32>
    %get3A_538 = arith.constant 0 : index
    %get3A_539 = arith.constant 0 : index
    %get3A_540 = vector.load %arg39[%get3A_538, %get3A_539] : memref<256x128xf32, #tpu.memory_space<vmem>>, vector<256x128xf32>
    %dot_general3A_541 = arith.constant dense<0.000000e+00> : vector<2048x128xf32>
    %dot_general3A_542 = tpu.matmul %max3A_537, %get3A_540, %dot_general3A_541 {dimension_numbers = #tpu.dot_dimension_numbers<[1], [0], [0], [1], [0, 0, 1, 1], [], []>, transpose_lhs_hint = false} : vector<2048x256xf32>, vector<256x128xf32>, vector<2048x128xf32> -> vector<2048x128xf32>
    %get3A_543 = arith.constant 0 : index
    %get3A_544 = arith.constant 0 : index
    %get3A_545 = vector.load %arg40[%get3A_543, %get3A_544] : memref<1x128xf32, #tpu.memory_space<vmem>>, vector<1x128xf32>
    %add3A_546 = vector.broadcast %get3A_545 : vector<1x128xf32> to vector<2048x128xf32>
    %add3A_547 = arith.addf %dot_general3A_542, %add3A_546 : vector<2048x128xf32>
    %add3A_548 = arith.addf %add3A_313, %add3A_547 : vector<2048x128xf32>
    %slice3A_549 = vector.extract_strided_slice %add3A_548 {offsets = [0, 0], sizes = [512, 128], strides = [1, 1]} : vector<2048x128xf32> to vector<512x128xf32>
    %reduce_sum3A_550 = arith.constant dense<0.000000e+00> : vector<128xf32>
    %reduce_sum3A_551 = vector.multi_reduction <add>, %slice3A_549, %reduce_sum3A_550 [0] : vector<512x128xf32> to vector<128xf32>
    %broadcast_in_dim3A_552 = vector.shape_cast %reduce_sum3A_551 : vector<128xf32> to vector<1x128xf32>
    %div3A_553 = arith.constant 5.120000e+02 : f32
    %div3A_554 = vector.broadcast %div3A_553 : f32 to vector<1x128xf32>
    %div3A_555 = arith.divf %broadcast_in_dim3A_552, %div3A_554 : vector<1x128xf32>
    %slice3A_556 = vector.extract_strided_slice %add3A_548 {offsets = [512, 0], sizes = [512, 128], strides = [1, 1]} : vector<2048x128xf32> to vector<512x128xf32>
    %reduce_sum3A_557 = arith.constant dense<0.000000e+00> : vector<128xf32>
    %reduce_sum3A_558 = vector.multi_reduction <add>, %slice3A_556, %reduce_sum3A_557 [0] : vector<512x128xf32> to vector<128xf32>
    %broadcast_in_dim3A_559 = vector.shape_cast %reduce_sum3A_558 : vector<128xf32> to vector<1x128xf32>
    %div3A_560 = arith.constant 5.120000e+02 : f32
    %div3A_561 = vector.broadcast %div3A_560 : f32 to vector<1x128xf32>
    %div3A_562 = arith.divf %broadcast_in_dim3A_559, %div3A_561 : vector<1x128xf32>
    %slice3A_563 = vector.extract_strided_slice %add3A_548 {offsets = [1024, 0], sizes = [512, 128], strides = [1, 1]} : vector<2048x128xf32> to vector<512x128xf32>
    %reduce_sum3A_564 = arith.constant dense<0.000000e+00> : vector<128xf32>
    %reduce_sum3A_565 = vector.multi_reduction <add>, %slice3A_563, %reduce_sum3A_564 [0] : vector<512x128xf32> to vector<128xf32>
    %broadcast_in_dim3A_566 = vector.shape_cast %reduce_sum3A_565 : vector<128xf32> to vector<1x128xf32>
    %div3A_567 = arith.constant 5.120000e+02 : f32
    %div3A_568 = vector.broadcast %div3A_567 : f32 to vector<1x128xf32>
    %div3A_569 = arith.divf %broadcast_in_dim3A_566, %div3A_568 : vector<1x128xf32>
    %slice3A_570 = vector.extract_strided_slice %add3A_548 {offsets = [1536, 0], sizes = [512, 128], strides = [1, 1]} : vector<2048x128xf32> to vector<512x128xf32>
    %reduce_sum3A_571 = arith.constant dense<0.000000e+00> : vector<128xf32>
    %reduce_sum3A_572 = vector.multi_reduction <add>, %slice3A_570, %reduce_sum3A_571 [0] : vector<512x128xf32> to vector<128xf32>
    %broadcast_in_dim3A_573 = vector.shape_cast %reduce_sum3A_572 : vector<128xf32> to vector<1x128xf32>
    %div3A_574 = arith.constant 5.120000e+02 : f32
    %div3A_575 = vector.broadcast %div3A_574 : f32 to vector<1x128xf32>
    %div3A_576 = arith.divf %broadcast_in_dim3A_573, %div3A_575 : vector<1x128xf32>
    %concatenate3A_577 = tpu.concatenate %div3A_555, %div3A_562, %div3A_569, %div3A_576 in 0 : vector<1x128xf32>, vector<1x128xf32>, vector<1x128xf32>, vector<1x128xf32> -> vector<4x128xf32>
    %get3A_578 = arith.constant 0 : index
    %get3A_579 = arith.constant 0 : index
    %get3A_580 = vector.load %arg41[%get3A_578, %get3A_579] : memref<128x128xf32, #tpu.memory_space<vmem>>, vector<128x128xf32>
    %dot_general3A_581 = arith.constant dense<0.000000e+00> : vector<4x128xf32>
    %dot_general3A_582 = tpu.matmul %concatenate3A_577, %get3A_580, %dot_general3A_581 {dimension_numbers = #tpu.dot_dimension_numbers<[1], [0], [0], [1], [0, 0, 1, 1], [], []>, transpose_lhs_hint = false} : vector<4x128xf32>, vector<128x128xf32>, vector<4x128xf32> -> vector<4x128xf32>
    %get3A_583 = arith.constant 0 : index
    %get3A_584 = arith.constant 0 : index
    %get3A_585 = vector.load %arg42[%get3A_583, %get3A_584] : memref<1x128xf32, #tpu.memory_space<vmem>>, vector<1x128xf32>
    %add3A_586 = vector.broadcast %get3A_585 : vector<1x128xf32> to vector<4x128xf32>
    %add3A_587 = arith.addf %dot_general3A_582, %add3A_586 : vector<4x128xf32>
    %max3A_588 = arith.constant 0.000000e+00 : f32
    %max3A_589 = vector.broadcast %max3A_588 : f32 to vector<4x128xf32>
    %max3A_590 = arith.maximumf %add3A_587, %max3A_589 : vector<4x128xf32>
    %get3A_591 = arith.constant 0 : index
    %get3A_592 = arith.constant 0 : index
    %get3A_593 = vector.load %arg43[%get3A_591, %get3A_592] : memref<128x128xf32, #tpu.memory_space<vmem>>, vector<128x128xf32>
    %dot_general3A_594 = arith.constant dense<0.000000e+00> : vector<4x128xf32>
    %dot_general3A_595 = tpu.matmul %max3A_590, %get3A_593, %dot_general3A_594 {dimension_numbers = #tpu.dot_dimension_numbers<[1], [0], [0], [1], [0, 0, 1, 1], [], []>, transpose_lhs_hint = false} : vector<4x128xf32>, vector<128x128xf32>, vector<4x128xf32> -> vector<4x128xf32>
    %get3A_596 = arith.constant 0 : index
    %get3A_597 = arith.constant 0 : index
    %get3A_598 = vector.load %arg44[%get3A_596, %get3A_597] : memref<1x128xf32, #tpu.memory_space<vmem>>, vector<1x128xf32>
    %add3A_599 = vector.broadcast %get3A_598 : vector<1x128xf32> to vector<4x128xf32>
    %add3A_600 = arith.addf %dot_general3A_595, %add3A_599 : vector<4x128xf32>
    %add3A_601 = arith.addf %add3A_366, %add3A_600 : vector<4x128xf32>
    %get3A_602 = arith.constant 0 : index
    %get3A_603 = arith.constant 0 : index
    %get3A_604 = vector.load %arg57[%get3A_602, %get3A_603] : memref<128x4xf32, #tpu.memory_space<vmem>>, vector<128x4xf32>
    %dot_general3A_605 = arith.constant dense<0.000000e+00> : vector<4x4xf32>
    %dot_general3A_606 = tpu.matmul %add3A_601, %get3A_604, %dot_general3A_605 {dimension_numbers = #tpu.dot_dimension_numbers<[1], [0], [0], [1], [0, 0, 1, 1], [], []>, transpose_lhs_hint = false} : vector<4x128xf32>, vector<128x4xf32>, vector<4x4xf32> -> vector<4x4xf32>
    %get3A_607 = arith.constant 0 : index
    %get3A_608 = arith.constant 0 : index
    %get3A_609 = vector.load %arg58[%get3A_607, %get3A_608] : memref<1x4xf32, #tpu.memory_space<vmem>>, vector<1x4xf32>
    %add3A_610 = vector.broadcast %get3A_609 : vector<1x4xf32> to vector<4x4xf32>
    %add3A_611 = arith.addf %dot_general3A_606, %add3A_610 : vector<4x4xf32>
    %mul3A = arith.constant 2 : i32
    %mul3A_612 = arith.muli %mul3A, %arg0 : i32
    %add3A_613 = arith.constant 0 : i32
    %add3A_614 = arith.addi %mul3A_612, %add3A_613 : i32
    %get3A_615 = arith.constant 0 : index
    %get3A_616 = arith.index_cast %add3A_614 : i32 to index
    %get3A_617 = memref.load %arg6[%get3A_615, %get3A_616] : memref<2x14xf32, #tpu.memory_space<smem>>
    %broadcast_in_dim3A_618 = vector.broadcast %get3A_617 : f32 to vector<1x1xf32>
    %mul3A_619 = arith.constant 2 : i32
    %mul3A_620 = arith.muli %mul3A_619, %arg0 : i32
    %add3A_621 = arith.constant 0 : i32
    %add3A_622 = arith.addi %mul3A_620, %add3A_621 : i32
    %get3A_623 = arith.constant 1 : index
    %get3A_624 = arith.index_cast %add3A_622 : i32 to index
    %get3A_625 = memref.load %arg6[%get3A_623, %get3A_624] : memref<2x14xf32, #tpu.memory_space<smem>>
    %broadcast_in_dim3A_626 = vector.broadcast %get3A_625 : f32 to vector<1x1xf32>
    %mul3A_627 = arith.constant 2 : i32
    %mul3A_628 = arith.muli %mul3A_627, %arg0 : i32
    %add3A_629 = arith.constant 1 : i32
    %add3A_630 = arith.addi %mul3A_628, %add3A_629 : i32
    %get3A_631 = arith.constant 0 : index
    %get3A_632 = arith.index_cast %add3A_630 : i32 to index
    %get3A_633 = memref.load %arg6[%get3A_631, %get3A_632] : memref<2x14xf32, #tpu.memory_space<smem>>
    %broadcast_in_dim3A_634 = vector.broadcast %get3A_633 : f32 to vector<1x1xf32>
    %mul3A_635 = arith.constant 2 : i32
    %mul3A_636 = arith.muli %mul3A_635, %arg0 : i32
    %add3A_637 = arith.constant 1 : i32
    %add3A_638 = arith.addi %mul3A_636, %add3A_637 : i32
    %get3A_639 = arith.constant 1 : index
    %get3A_640 = arith.index_cast %add3A_638 : i32 to index
    %get3A_641 = memref.load %arg6[%get3A_639, %get3A_640] : memref<2x14xf32, #tpu.memory_space<smem>>
    %broadcast_in_dim3A_642 = vector.broadcast %get3A_641 : f32 to vector<1x1xf32>
    %concatenate3A_643 = tpu.concatenate %broadcast_in_dim3A_618, %broadcast_in_dim3A_626, %broadcast_in_dim3A_634, %broadcast_in_dim3A_642 in 0 : vector<1x1xf32>, vector<1x1xf32>, vector<1x1xf32>, vector<1x1xf32> -> vector<4x1xf32>
    %get3A_644 = arith.constant 0 : index
    %get3A_645 = arith.constant 0 : index
    %get3A_646 = vector.load %arg60[%get3A_644, %get3A_645] : memref<4x4xf32, #tpu.memory_space<vmem>>, vector<4x4xf32>
    %mul3A_647 = vector.broadcast %concatenate3A_643 : vector<4x1xf32> to vector<4x4xf32>
    %mul3A_648 = arith.mulf %mul3A_647, %add3A_611 : vector<4x4xf32>
    %add3A_649 = arith.addf %get3A_646, %mul3A_648 : vector<4x4xf32>
    %swap3A = arith.constant 0 : index
    %swap3A_650 = arith.constant 0 : index
    %swap3A_651 = vector.load %arg60[%swap3A, %swap3A_650] : memref<4x4xf32, #tpu.memory_space<vmem>>, vector<4x4xf32>
    tpu.vector_store %arg60[%swap3A, %swap3A_650], %add3A_649 {strides = array<i32>} : memref<4x4xf32, #tpu.memory_space<vmem>>, vector<4x4xf32>,
    %eq3A_652 = arith.constant 6 : i32
    %eq3A_653 = arith.cmpi eq, %arg0, %eq3A_652 : i32
    %convert_element_type3A_654 = arith.extui %eq3A_653 : i1 to i32
    %cond3A_655 = arith.constant 0 : i32
    %cond3A_656 = arith.cmpi ne, %convert_element_type3A_654, %cond3A_655 : i32
    scf.if %cond3A_656 {
      %get3A_657 = arith.constant 0 : index
      %get3A_658 = arith.constant 0 : index
      %get3A_659 = vector.load %arg60[%get3A_657, %get3A_658] : memref<4x4xf32, #tpu.memory_space<vmem>>, vector<4x4xf32>
      %slice3A_660 = vector.extract_strided_slice %get3A_659 {offsets = [0, 0], sizes = [2, 4], strides = [1, 1]} : vector<4x4xf32> to vector<2x4xf32>
      %slice3A_661 = vector.extract_strided_slice %get3A_659 {offsets = [2, 0], sizes = [2, 4], strides = [1, 1]} : vector<4x4xf32> to vector<2x4xf32>
      %add3A_662 = arith.addf %slice3A_660, %slice3A_661 : vector<2x4xf32>
      %slice3A_663 = vector.extract_strided_slice %add3A_662 {offsets = [0, 0], sizes = [2, 1], strides = [1, 1]} : vector<2x4xf32> to vector<2x1xf32>
      %slice3A_664 = vector.extract_strided_slice %add3A_662 {offsets = [0, 2], sizes = [2, 1], strides = [1, 1]} : vector<2x4xf32> to vector<2x1xf32>
      %mul3A_665 = arith.mulf %slice3A_663, %slice3A_664 : vector<2x1xf32>
      %slice3A_666 = vector.extract_strided_slice %add3A_662 {offsets = [0, 1], sizes = [2, 1], strides = [1, 1]} : vector<2x4xf32> to vector<2x1xf32>
      %slice3A_667 = vector.extract_strided_slice %add3A_662 {offsets = [0, 3], sizes = [2, 1], strides = [1, 1]} : vector<2x4xf32> to vector<2x1xf32>
      %mul3A_668 = arith.mulf %slice3A_666, %slice3A_667 : vector<2x1xf32>
      %add3A_669 = arith.addf %mul3A_665, %mul3A_668 : vector<2x1xf32>
      %swap3A_670 = arith.constant 0 : index
      %swap3A_671 = arith.constant 0 : index
      %swap3A_672 = vector.load %arg59[%swap3A_670, %swap3A_671] : memref<2x1xf32, #tpu.memory_space<vmem>>, vector<2x1xf32>
      tpu.vector_store %arg59[%swap3A_670, %swap3A_671], %add3A_669 {strides = array<i32>} : memref<2x1xf32, #tpu.memory_space<vmem>>, vector<2x1xf32>,
    } else {
    }
    return
  }
  func.func @transform_0(%arg0: i32) -> (i32, i32) {
    %c0_i32 = arith.constant 0 : i32
    %c0_i32_0 = arith.constant 0 : i32
    return %arg0, %c0_i32 : i32, i32
  }
  func.func @transform_1(%arg0: i32) -> (i32, i32) {
    %c0_i32 = arith.constant 0 : i32
    %c0_i32_0 = arith.constant 0 : i32
    return %arg0, %c0_i32 : i32, i32
  }
  func.func @transform_2(%arg0: i32) -> (i32, i32, i32) {
    %c0_i32 = arith.constant 0 : i32
    %c0_i32_0 = arith.constant 0 : i32
    %c0_i32_1 = arith.constant 0 : i32
    return %arg0, %c0_i32, %c0_i32_0 : i32, i32, i32
  }
  func.func @transform_3(%arg0: i32) -> (i32, i32, i32) {
    %c0_i32 = arith.constant 0 : i32
    %c0_i32_0 = arith.constant 0 : i32
    %c0_i32_1 = arith.constant 0 : i32
    return %arg0, %c0_i32, %c0_i32_0 : i32, i32, i32
  }
  func.func @transform_4(%arg0: i32) -> (i32, i32, i32) {
    %c0_i32 = arith.constant 0 : i32
    %c0_i32_0 = arith.constant 0 : i32
    %c0_i32_1 = arith.constant 0 : i32
    return %arg0, %c0_i32, %c0_i32_0 : i32, i32, i32
  }
  func.func @transform_5(%arg0: i32) -> (i32, i32) {
    %c0_i32 = arith.constant 0 : i32
    %c0_i32_0 = arith.constant 0 : i32
    %c0_i32_1 = arith.constant 0 : i32
    return %c0_i32, %c0_i32_0 : i32, i32
  }
  func.func @transform_6(%arg0: i32) -> (i32, i32) {
    %c0_i32 = arith.constant 0 : i32
    %c0_i32_0 = arith.constant 0 : i32
    %c0_i32_1 = arith.constant 0 : i32
    return %c0_i32, %c0_i32_0 : i32, i32
  }
  func.func @transform_7(%arg0: i32) -> (i32, i32) {
    %c0_i32 = arith.constant 0 : i32
    %c0_i32_0 = arith.constant 0 : i32
    %c0_i32_1 = arith.constant 0 : i32
    return %c0_i32, %c0_i32_0 : i32, i32
  }
  func.func @transform_8(%arg0: i32) -> (i32, i32) {
    %c0_i32 = arith.constant 0 : i32
    %c0_i32_0 = arith.constant 0 : i32
    %c0_i32_1 = arith.constant 0 : i32
    return %c0_i32, %c0_i32_0 : i32, i32
  }
  func.func @transform_9(%arg0: i32) -> (i32, i32) {
    %c0_i32 = arith.constant 0 : i32
    %c0_i32_0 = arith.constant 0 : i32
    %c0_i32_1 = arith.constant 0 : i32
    return %c0_i32, %c0_i32_0 : i32, i32
  }
  func.func @transform_10(%arg0: i32) -> (i32, i32) {
    %c0_i32 = arith.constant 0 : i32
    %c0_i32_0 = arith.constant 0 : i32
    %c0_i32_1 = arith.constant 0 : i32
    return %c0_i32, %c0_i32_0 : i32, i32
  }
  func.func @transform_11(%arg0: i32) -> (i32, i32) {
    %c0_i32 = arith.constant 0 : i32
    %c0_i32_0 = arith.constant 0 : i32
    %c0_i32_1 = arith.constant 0 : i32
    return %c0_i32, %c0_i32_0 : i32, i32
  }
  func.func @transform_12(%arg0: i32) -> (i32, i32) {
    %c0_i32 = arith.constant 0 : i32
    %c0_i32_0 = arith.constant 0 : i32
    %c0_i32_1 = arith.constant 0 : i32
    return %c0_i32, %c0_i32_0 : i32, i32
  }
  func.func @transform_13(%arg0: i32) -> (i32, i32) {
    %c0_i32 = arith.constant 0 : i32
    %c0_i32_0 = arith.constant 0 : i32
    %c0_i32_1 = arith.constant 0 : i32
    return %c0_i32, %c0_i32_0 : i32, i32
  }
  func.func @transform_14(%arg0: i32) -> (i32, i32) {
    %c0_i32 = arith.constant 0 : i32
    %c0_i32_0 = arith.constant 0 : i32
    %c0_i32_1 = arith.constant 0 : i32
    return %c0_i32, %c0_i32_0 : i32, i32
  }
  func.func @transform_15(%arg0: i32) -> (i32, i32) {
    %c0_i32 = arith.constant 0 : i32
    %c0_i32_0 = arith.constant 0 : i32
    %c0_i32_1 = arith.constant 0 : i32
    return %c0_i32, %c0_i32_0 : i32, i32
  }
  func.func @transform_16(%arg0: i32) -> (i32, i32) {
    %c0_i32 = arith.constant 0 : i32
    %c0_i32_0 = arith.constant 0 : i32
    %c0_i32_1 = arith.constant 0 : i32
    return %c0_i32, %c0_i32_0 : i32, i32
  }
  func.func @transform_17(%arg0: i32) -> (i32, i32) {
    %c0_i32 = arith.constant 0 : i32
    %c0_i32_0 = arith.constant 0 : i32
    %c0_i32_1 = arith.constant 0 : i32
    return %c0_i32, %c0_i32_0 : i32, i32
  }
  func.func @transform_18(%arg0: i32) -> (i32, i32) {
    %c0_i32 = arith.constant 0 : i32
    %c0_i32_0 = arith.constant 0 : i32
    %c0_i32_1 = arith.constant 0 : i32
    return %c0_i32, %c0_i32_0 : i32, i32
  }
  func.func @transform_19(%arg0: i32) -> (i32, i32) {
    %c0_i32 = arith.constant 0 : i32
    %c0_i32_0 = arith.constant 0 : i32
    %c0_i32_1 = arith.constant 0 : i32
    return %c0_i32, %c0_i32_0 : i32, i32
  }
  func.func @transform_20(%arg0: i32) -> (i32, i32) {
    %c0_i32 = arith.constant 0 : i32
    %c0_i32_0 = arith.constant 0 : i32
    %c0_i32_1 = arith.constant 0 : i32
    return %c0_i32, %c0_i32_0 : i32, i32
  }
  func.func @transform_21(%arg0: i32) -> (i32, i32) {
    %c0_i32 = arith.constant 0 : i32
    %c0_i32_0 = arith.constant 0 : i32
    %c0_i32_1 = arith.constant 0 : i32
    return %c0_i32, %c0_i32_0 : i32, i32
  }
  func.func @transform_22(%arg0: i32) -> (i32, i32) {
    %c0_i32 = arith.constant 0 : i32
    %c0_i32_0 = arith.constant 0 : i32
    %c0_i32_1 = arith.constant 0 : i32
    return %c0_i32, %c0_i32_0 : i32, i32
  }
  func.func @transform_23(%arg0: i32) -> (i32, i32) {
    %c0_i32 = arith.constant 0 : i32
    %c0_i32_0 = arith.constant 0 : i32
    %c0_i32_1 = arith.constant 0 : i32
    return %c0_i32, %c0_i32_0 : i32, i32
  }
  func.func @transform_24(%arg0: i32) -> (i32, i32) {
    %c0_i32 = arith.constant 0 : i32
    %c0_i32_0 = arith.constant 0 : i32
    %c0_i32_1 = arith.constant 0 : i32
    return %c0_i32, %c0_i32_0 : i32, i32
  }
  func.func @transform_25(%arg0: i32) -> (i32, i32) {
    %c0_i32 = arith.constant 0 : i32
    %c0_i32_0 = arith.constant 0 : i32
    %c0_i32_1 = arith.constant 0 : i32
    return %c0_i32, %c0_i32_0 : i32, i32
  }
  func.func @transform_26(%arg0: i32) -> (i32, i32) {
    %c0_i32 = arith.constant 0 : i32
    %c0_i32_0 = arith.constant 0 : i32
    %c0_i32_1 = arith.constant 0 : i32
    return %c0_i32, %c0_i32_0 : i32, i32
  }
  func.func @transform_27(%arg0: i32) -> (i32, i32) {
    %c0_i32 = arith.constant 0 : i32
    %c0_i32_0 = arith.constant 0 : i32
    %c0_i32_1 = arith.constant 0 : i32
    return %c0_i32, %c0_i32_0 : i32, i32
  }
  func.func @transform_28(%arg0: i32) -> (i32, i32) {
    %c0_i32 = arith.constant 0 : i32
    %c0_i32_0 = arith.constant 0 : i32
    %c0_i32_1 = arith.constant 0 : i32
    return %c0_i32, %c0_i32_0 : i32, i32
  }
  func.func @transform_29(%arg0: i32) -> (i32, i32) {
    %c0_i32 = arith.constant 0 : i32
    %c0_i32_0 = arith.constant 0 : i32
    %c0_i32_1 = arith.constant 0 : i32
    return %c0_i32, %c0_i32_0 : i32, i32
  }
  func.func @transform_30(%arg0: i32) -> (i32, i32) {
    %c0_i32 = arith.constant 0 : i32
    %c0_i32_0 = arith.constant 0 : i32
    %c0_i32_1 = arith.constant 0 : i32
    return %c0_i32, %c0_i32_0 : i32, i32
  }
  func.func @transform_31(%arg0: i32) -> (i32, i32) {
    %c0_i32 = arith.constant 0 : i32
    %c0_i32_0 = arith.constant 0 : i32
    %c0_i32_1 = arith.constant 0 : i32
    return %c0_i32, %c0_i32_0 : i32, i32
  }
  func.func @transform_32(%arg0: i32) -> (i32, i32) {
    %c0_i32 = arith.constant 0 : i32
    %c0_i32_0 = arith.constant 0 : i32
    %c0_i32_1 = arith.constant 0 : i32
    return %c0_i32, %c0_i32_0 : i32, i32
  }
  func.func @transform_33(%arg0: i32) -> (i32, i32) {
    %c0_i32 = arith.constant 0 : i32
    %c0_i32_0 = arith.constant 0 : i32
    %c0_i32_1 = arith.constant 0 : i32
    return %c0_i32, %c0_i32_0 : i32, i32
  }
  func.func @transform_34(%arg0: i32) -> (i32, i32) {
    %c0_i32 = arith.constant 0 : i32
    %c0_i32_0 = arith.constant 0 : i32
    %c0_i32_1 = arith.constant 0 : i32
    return %c0_i32, %c0_i32_0 : i32, i32
  }
  func.func @transform_35(%arg0: i32) -> (i32, i32) {
    %c0_i32 = arith.constant 0 : i32
    %c0_i32_0 = arith.constant 0 : i32
    %c0_i32_1 = arith.constant 0 : i32
    return %c0_i32, %c0_i32_0 : i32, i32
  }
  func.func @transform_36(%arg0: i32) -> (i32, i32) {
    %c0_i32 = arith.constant 0 : i32
    %c0_i32_0 = arith.constant 0 : i32
    %c0_i32_1 = arith.constant 0 : i32
    return %c0_i32, %c0_i32_0 : i32, i32
  }
  func.func @transform_37(%arg0: i32) -> (i32, i32) {
    %c0_i32 = arith.constant 0 : i32
    %c0_i32_0 = arith.constant 0 : i32
    %c0_i32_1 = arith.constant 0 : i32
    return %c0_i32, %c0_i32_0 : i32, i32
  }
  func.func @transform_38(%arg0: i32) -> (i32, i32) {
    %c0_i32 = arith.constant 0 : i32
    %c0_i32_0 = arith.constant 0 : i32
    %c0_i32_1 = arith.constant 0 : i32
    return %c0_i32, %c0_i32_0 : i32, i32
  }
  func.func @transform_39(%arg0: i32) -> (i32, i32) {
    %c0_i32 = arith.constant 0 : i32
    %c0_i32_0 = arith.constant 0 : i32
    %c0_i32_1 = arith.constant 0 : i32
    return %c0_i32, %c0_i32_0 : i32, i32
  }
  func.func @transform_40(%arg0: i32) -> (i32, i32) {
    %c0_i32 = arith.constant 0 : i32
    %c0_i32_0 = arith.constant 0 : i32
    %c0_i32_1 = arith.constant 0 : i32
    return %c0_i32, %c0_i32_0 : i32, i32
  }
  func.func @transform_41(%arg0: i32) -> (i32, i32) {
    %c0_i32 = arith.constant 0 : i32
    %c0_i32_0 = arith.constant 0 : i32
    %c0_i32_1 = arith.constant 0 : i32
    return %c0_i32, %c0_i32_0 : i32, i32
  }
  func.func @transform_42(%arg0: i32) -> (i32, i32) {
    %c0_i32 = arith.constant 0 : i32
    %c0_i32_0 = arith.constant 0 : i32
    %c0_i32_1 = arith.constant 0 : i32
    return %c0_i32, %c0_i32_0 : i32, i32
  }
  func.func @transform_43(%arg0: i32) -> (i32, i32) {
    %c0_i32 = arith.constant 0 : i32
    %c0_i32_0 = arith.constant 0 : i32
    %c0_i32_1 = arith.constant 0 : i32
    return %c0_i32, %c0_i32_0 : i32, i32
  }
  func.func @transform_44(%arg0: i32) -> (i32, i32) {
    %c0_i32 = arith.constant 0 : i32
    %c0_i32_0 = arith.constant 0 : i32
    %c0_i32_1 = arith.constant 0 : i32
    return %c0_i32, %c0_i32_0 : i32, i32
  }
  func.func @transform_45(%arg0: i32) -> (i32, i32) {
    %c0_i32 = arith.constant 0 : i32
    %c0_i32_0 = arith.constant 0 : i32
    %c0_i32_1 = arith.constant 0 : i32
    return %c0_i32, %c0_i32_0 : i32, i32
  }
  func.func @transform_46(%arg0: i32) -> (i32, i32) {
    %c0_i32 = arith.constant 0 : i32
    %c0_i32_0 = arith.constant 0 : i32
    %c0_i32_1 = arith.constant 0 : i32
    return %c0_i32, %c0_i32_0 : i32, i32
  }
  func.func @transform_47(%arg0: i32) -> (i32, i32) {
    %c0_i32 = arith.constant 0 : i32
    %c0_i32_0 = arith.constant 0 : i32
    %c0_i32_1 = arith.constant 0 : i32
    return %c0_i32, %c0_i32_0 : i32, i32
  }
  func.func @transform_48(%arg0: i32) -> (i32, i32) {
    %c0_i32 = arith.constant 0 : i32
    %c0_i32_0 = arith.constant 0 : i32
    %c0_i32_1 = arith.constant 0 : i32
    return %c0_i32, %c0_i32_0 : i32, i32
  }
  func.func @transform_49(%arg0: i32) -> (i32, i32) {
    %c0_i32 = arith.constant 0 : i32
    %c0_i32_0 = arith.constant 0 : i32
    %c0_i32_1 = arith.constant 0 : i32
    return %c0_i32, %c0_i32_0 : i32, i32
  }
  func.func @transform_50(%arg0: i32) -> (i32, i32) {
    %c0_i32 = arith.constant 0 : i32
    %c0_i32_0 = arith.constant 0 : i32
    %c0_i32_1 = arith.constant 0 : i32
    return %c0_i32, %c0_i32_0 : i32, i32
  }
  func.func @transform_51(%arg0: i32) -> (i32, i32) {
    %c0_i32 = arith.constant 0 : i32
    %c0_i32_0 = arith.constant 0 : i32
    %c0_i32_1 = arith.constant 0 : i32
    return %c0_i32, %c0_i32_0 : i32, i32
  }
  func.func @transform_52(%arg0: i32) -> (i32, i32) {
    %c0_i32 = arith.constant 0 : i32
    %c0_i32_0 = arith.constant 0 : i32
    %c0_i32_1 = arith.constant 0 : i32
    return %c0_i32, %c0_i32_0 : i32, i32
  }
  func.func @transform_53(%arg0: i32) -> (i32, i32) {
    %c0_i32 = arith.constant 0 : i32
    %c0_i32_0 = arith.constant 0 : i32
    %c0_i32_1 = arith.constant 0 : i32
    return %c0_i32, %c0_i32_0 : i32, i32
  }
  func.func @transform_54(%arg0: i32) -> (i32, i32) {
    %c0_i32 = arith.constant 0 : i32
    %c0_i32_0 = arith.constant 0 : i32
    %c0_i32_1 = arith.constant 0 : i32
    return %c0_i32, %c0_i32_0 : i32, i32
  }
  func.func @transform_55(%arg0: i32) -> (i32, i32) {
    %c0_i32 = arith.constant 0 : i32
    %c0_i32_0 = arith.constant 0 : i32
    %c0_i32_1 = arith.constant 0 : i32
    return %c0_i32, %c0_i32_0 : i32, i32
  }
  func.func @transform_56(%arg0: i32) -> (i32, i32) {
    %c0_i32 = arith.constant 0 : i32
    %c0_i32_0 = arith.constant 0 : i32
    %c0_i32_1 = arith.constant 0 : i32
    return %c0_i32, %c0_i32_0 : i32, i32
  }
  func.func @transform_57(%arg0: i32) -> (i32, i32) {
    %c0_i32 = arith.constant 0 : i32
    %c0_i32_0 = arith.constant 0 : i32
    %c0_i32_1 = arith.constant 0 : i32
    return %c0_i32, %c0_i32_0 : i32, i32
  }
  func.func @transform_58(%arg0: i32) -> (i32, i32) {
    %c0_i32 = arith.constant 0 : i32
    %c0_i32_0 = arith.constant 0 : i32
    %c0_i32_1 = arith.constant 0 : i32
    return %c0_i32, %c0_i32_0 : i32, i32
  }
}

</mosaic_0001>

<sc_bundles>
// kernel: kernel.5.cloned.1.call-start
scs
__scs_entry_jumppad:
0x0: {  	(pc) =	sbr.rel $0x88, $3  }
0x1: {  	(tag) =	ssettag $0x0;
	lr =	simm.s32 $0x1  }
0x2: {  	[smem:$0x3F66] =	sst lr;
	_ =	strace $0xD0000000  }
0x3: {  	_ = 	snop  }
0x4: {  	_ = 	snop  }
0x5: {  	_ = 	snop  }
0x6: {  	_ = 	snop  }
0x7: {  	_ = 	snop  }
__scs_overlays_trampoline_lowered:
0x8: {  	[smem:$0x3F75] =	sst s0  }
0x9: {  	[smem:$0x3F76] =	sst s1  }
0xa: {  	[smem:$0x3F77] =	sst s2  }
0xb: {  	[smem:$0x3F78] =	sst s3  }
0xc: {  	[smem:$0x3F79] =	sst s4  }
0xd: {  	[smem:$0x3F7A] =	sst s5  }
0xe: {  	[smem:$0x3F7B] =	sst s6  }
0xf: {  	[smem:$0x3F7C] =	sst s7  }
0x10: {  	[smem:$0x3F7D] =	sst s8  }
0x11: {  	[smem:$0x3F7E] =	sst s9;
	s0 =	simm.s32 @!p0 $0x0  }
0x12: {  	s1 =	sld [smem:$0x3F64];
	s0 =	simm.s32 @p0 $0x1  }
0x13: {  	[smem:$0x3F7F] =	sst s0;
	s0 =	simm.s32 @!p1 $0x0  }
0x14: {  	s2 =	sld [smem:$0x3F63];
	s0 =	simm.s32 @p1 $0x1  }
0x15: {  	[smem:$0x3F80] =	sst s0;
	s0 =	simm.s32 @!p2 $0x0  }
0x16: {  	s3 =	sld [smem:$0x3FDB];
	s0 =	simm.s32 @p2 $0x1  }
0x17: {  	s4 =	simm.s32 $0x1BF5;
	[smem:$0x3F82] =	sst s0  }
0x18: {  	s0 =	sld [smem:$0x3F65];
	_ =	swait.ge [sflag:s4], $0x0  }
0x19: {  	s7 =	sld [smem:$0x3F66]  }
0x1a: {  	s8 =	sadd.s32 $0xFFFFE003, lr  }
0x1b: {  	s9 =	sadd.s32 $0xFFFFFEF7, lr;
	s5 =	simm.s32 $0xFFFFFFFF;
	p2 =	slt.u32 s8, $0xFFFFF086  }
0x1c: {  	p1 =	slt.u32 s9, $0xF7A;
	s5 =	simm.s32 @!p2 $0x0  }
0x1d: {  	s5 =	simm.s32 @p1 $0x1;
	p0 =	seq.s32 s7, s2  }
0x1e: {  	s7 =	smul.u32 @!p0 $0xF7A, s2;
	p2 =	seq.s32 @!p0 s5, $0x0  }
0x1f: {  	s9 =	smul.u32 $0xF7A, s1;
	s8 =	simm.s32 @!p0 $0x1BF5;
	p2 =	por !p2, p0  }
0x20: {  	[sflag:s8] =	ssyncset.s32 @!p0 $0xFFFFF086;
	s6 =	sadd.s32 @!p0 s3, s7;
	s7 =	simm.s32 @!p0 $0x108  }
0x21: {  	s3 =	sadd.s32 s3, s9;
	s6 =	sadd.s32 @!p0 $0x88, s6;
	s7 =	simm.s32 @p2 $0x1082  }
0x22: {  	[simem:s7], [sflag:s8] =	dma.local @!p0 [hbm:s6], $0xF7A  }
0x23: {  	s9 =	sor.u32 $0xD0000000, s2;
	s6 =	simm.s32 $0x108;
	_ =	swait.ge @!p0 [sflag:s8], $0x0  }
0x24: {  	s3 =	sadd.s32 $0x88, s3;
	s6 =	simm.s32 @!p1 $0x1082;
	[sflag:s4] =	ssyncset.s32 $0xFFFFF086  }
0x25: {  	[simem:s6], [sflag:s4] =	dma.local [hbm:s3], $0xF7A  }
0x26: {  	[smem:$0x3F66] =	sst s1;
	(tag) =	ssettag s2;
	_ =	strace s9  }
0x27: {  	s1 =	sld [smem:$0x3F76]  }
0x28: {  	s2 =	sld [smem:$0x3F77]  }
0x29: {  	s4 =	sld [smem:$0x3F79]  }
0x2a: {  	p0 =	seq.s32 s5, $0x0;
	s5 =	sld [smem:$0x3F7A]  }
0x2b: {  	s6 =	sld [smem:$0x3F7B]  }
0x2c: {  	s7 =	sld [smem:$0x3F7C]  }
0x2d: {  	s3 =	simm.s32 $0x108;
	s8 =	sld [smem:$0x3F7D]  }
0x2e: {  	s3 =	simm.s32 @!p0 $0x1082;
	s9 =	sld [smem:$0x3F7E]  }
0x2f: {  	lr =	sadd.s32 s0, s3;
	s0 =	sld [smem:$0x3F75]  }
0x30: {  	s3 =	sld [smem:$0x3F78]  }
0x31: {  	[smem:$0x3F81] =	sst s10  }
0x32: {  	s10 =	sld [smem:$0x3F7F];
	_ =	sdelay $0x3  }
0x33: {  	p0 =	seq.s32 s10, $0x1;
	s10 =	sld [smem:$0x3F81];
	_ =	sdelay $0x3  }
0x34: {  	[smem:$0x3F81] =	sst s10  }
0x35: {  	s10 =	sld [smem:$0x3F80];
	_ =	sdelay $0x3  }
0x36: {  	p1 =	seq.s32 s10, $0x1;
	s10 =	sld [smem:$0x3F81];
	_ =	sdelay $0x3  }
0x37: {  	[smem:$0x3F81] =	sst s10  }
0x38: {  	s10 =	sld [smem:$0x3F82]  }
0x39: {  	_ = 	snop;
	(pc) =	sbr.ind lr, $3  }
0x3a: {  	_ = 	snop  }
0x3b: {  	_ = 	snop  }
0x3c: {  	p2 =	seq.s32 s10, $0x1;
	s10 =	sld [smem:$0x3F81]  }
0x3d: {  	_ =	shalt  }
0x3e: {  	_ =	shalt  }
0x3f: {  	_ =	shalt  }
0x40: {  	_ =	shalt  }
0x41: {  	_ =	shalt  }
0x42: {  	_ =	shalt  }
0x43: {  	_ =	shalt  }
0x44: {  	_ =	shalt  }
0x45: {  	_ =	shalt  }
0x46: {  	_ =	shalt  }
0x47: {  	_ =	shalt  }
0x48: {  	_ =	shalt  }
0x49: {  	_ =	shalt  }
0x4a: {  	_ =	shalt  }
0x4b: {  	_ =	shalt  }
0x4c: {  	_ =	shalt  }
0x4d: {  	_ =	shalt  }
0x4e: {  	_ =	shalt  }
0x4f: {  	_ =	shalt  }
0x50: {  	_ =	shalt  }
0x51: {  	_ =	shalt  }
0x52: {  	_ =	shalt  }
0x53: {  	_ =	shalt  }
0x54: {  	_ =	shalt  }
0x55: {  	_ =	shalt  }
0x56: {  	_ =	shalt  }
0x57: {  	_ =	shalt  }
0x58: {  	_ =	shalt  }
0x59: {  	_ =	shalt  }
0x5a: {  	_ =	shalt  }
0x5b: {  	_ =	shalt  }
0x5c: {  	_ =	shalt  }
0x5d: {  	_ =	shalt  }
0x5e: {  	_ =	shalt  }
0x5f: {  	_ =	shalt  }
0x60: {  	_ =	shalt  }
0x61: {  	_ =	shalt  }
0x62: {  	_ =	shalt  }
0x63: {  	_ =	shalt  }
0x64: {  	_ =	shalt  }
0x65: {  	_ =	shalt  }
0x66: {  	_ =	shalt  }
0x67: {  	_ =	shalt  }
0x68: {  	_ =	shalt  }
0x69: {  	_ =	shalt  }
0x6a: {  	_ =	shalt  }
0x6b: {  	_ =	shalt  }
0x6c: {  	_ =	shalt  }
0x6d: {  	_ =	shalt  }
0x6e: {  	_ =	shalt  }
0x6f: {  	_ =	shalt  }
0x70: {  	_ =	shalt  }
0x71: {  	_ =	shalt  }
0x72: {  	_ =	shalt  }
0x73: {  	_ =	shalt  }
0x74: {  	_ =	shalt  }
0x75: {  	_ =	shalt  }
0x76: {  	_ =	shalt  }
0x77: {  	_ =	shalt  }
0x78: {  	_ =	shalt  }
0x79: {  	_ =	shalt  }
0x7a: {  	_ =	shalt  }
0x7b: {  	_ =	shalt  }
0x7c: {  	_ =	shalt  }
0x7d: {  	_ =	shalt  }
0x7e: {  	_ =	shalt  }
0x7f: {  	_ =	shalt  }
0x80: {  	_ =	shalt  }
0x81: {  	_ =	shalt  }
0x82: {  	_ =	shalt  }
0x83: {  	_ =	shalt  }
0x84: {  	_ =	shalt  }
0x85: {  	_ =	shalt  }
0x86: {  	_ =	shalt  }
0x87: {  	_ =	shalt  }
.Lfunc_end0:
.L_simem_size_0:
called_computation_lowered:
.L_overlay_start_0:
0x88: {  	s2 =	sld [smem:$0x3FD9]  }
0x89: {  	s3 =	sld [smem:$0x3FFE];
	_ =	sdelay $0x1  }
0x8a: {  	s1 =	srdreg.scid  }
0x8b: {  	s0 =	sand.u32 $0x1, s1  }
0x8c: {  	s17 =	sshll.u32 s0, $0xA;
	s2 =	sadd.s32 s3, s2  }
0x8d: {  	s2 =	sadd.s32 s2, s17  }
0x8e: {  	[smem:$0x3F8D] =	sst s2  }
0x8f: {  	_ = 	snop  }
0x90: {  	s18 =	sld [smem:$0x3FC2];
	(tm) =	ssettm $0x1  }
0x91: {  	s19 =	sld [smem:$0x3FFB];
	_ =	sdelay $0x3  }
0x92: {  	_ =	strace s19  }
0x93: {  	s2 =	sld [smem:$0x3FFC];
	_ =	sdelay $0x3  }
0x94: {  	_ =	strace s2  }
0x95: {  	s2 =	sld [smem:$0x3FFD];
	_ =	sdelay $0x3  }
0x96: {  	_ =	strace s2  }
0x97: {  	_ =	strace $0x8FFFFFFF  }
0x98: {  	s20 =	sld [smem:$0x3FDB];
	_ =	sdelay $0x1  }
0x99: {  	s4 =	simm.s32 $_scs_section_size  }
0x9a: {  	s5 =	simm.s32 $_size__tile_overlayer_lowered;
	s6 =	simm.s32 $_tile_overlayer_lowered  }
0x9b: {  	s7 =	simm.s32 $0x1BFF;
	s21 =	sshll.u32 s6, $0x1;
	s4 =	sadd.s32 s4, s20  }
0x9c: {  	s22 =	simm.s32 $0x0;
	s5 =	sshll.u32 s5, $0x1;
	s6 =	sadd.s32 s21, s4  }
0x9d: {  	[timem:s22], [sflag:s7] =	dma.local [hbm:s6], s5  }
0x9e: {  	_ =	swait.ge [sflag:s7], s5  }
0x9f: {  	s5 =	ssub.s32 $0x0, s5;
	[sflag:s7] =	ssyncset.done $0x0  }
0xa0: {  	[sflag:s7] =	ssyncadd.s32 s5;
	_ =	sdelay $0x1  }
0xa1: {  	s23 =	simm.s32 $0x1B8B  }
0xa2: {  	_ =	swait.ge [sflag:s23], $0x1  }
0xa3: {  	[sflag:s23] =	ssyncset.done $0x0  }
0xa4: {  	[sflag:s23] =	ssyncadd.s32 $0xFFFFFFFF  }
0xa5: {  	s5 =	sld [smem:$0x0]  }
0xa6: {  	s6 =	sand.u32 $0xFFFFFFFE, s1  }
0xa7: {  	p0 =	sne.s32 s1, s6  }
0xa8: {  	s6 =	sshll.u32 @p0 s6, $0xE  }
0xa9: {  	s6 =	sadd.s32 @p0 $0x11B8D, s6;
	s7 =	sshll.u32 @p0 s5, $0x11  }
0xaa: {  	s6 =	sor.u32 @p0 s7, s6  }
0xab: {  	[sflag:s6] =	ssyncadd.remote.s32 @p0 $0x1;
	_ =	sdelay $0x1  }
0xac: {  	s6 =	simm.s32 @p0 $0x1B8D  }
0xad: {  	_ =	swait.eq @p0 [sflag:s6], $0x1  }
0xae: {  	[sflag:s6] =	ssyncadd.s32 @p0 $0xFFFFFFFF  }
0xaf: {  	s7 =	sshll.u32 @!p0 s1, $0xE  }
0xb0: {  	s7 =	sor.u32 @!p0 $0x4000, s7;
	s6 =	simm.s32 @!p0 $0x1B8D  }
0xb1: {  	s5 =	sshll.u32 @!p0 s5, $0x11;
	s7 =	sadd.s32 @!p0 $0x11B8D, s7;
	_ =	swait.eq @!p0 [sflag:s6], $0x1  }
0xb2: {  	s5 =	sor.u32 @!p0 s5, s7;
	[sflag:s6] =	ssyncadd.s32 @!p0 $0xFFFFFFFF  }
0xb3: {  	s25 =	simm.s32 $0x1B8E;
	s24 =	sld [smem:$0x3FFE];
	[sflag:s5] =	ssyncadd.remote.s32 @!p0 $0x1  }
0xb4: {  	s26 =	simm.s32 $execute0_lowered;
	[smem:$0x3FD2] =	sst s25  }
0xb5: {  	s6 =	sshll.u32 s26, $0x1;
	_ =	strace $0x80000049;
	[dreg:$0x1] =	wrdreg $0xFFFFFFFF  }
0xb6: {  	s28 =	simm.s32 $_size_execute0_lowered;
	s4 =	sadd.s32 s4, s6;
	[dreg:$0x0] =	wrdreg $0x0  }
0xb7: {  	s6 =	sshll.u32 s28, $0x1;
	[dreg:$0x2] =	wrdreg s4  }
0xb8: {  	[dreg:$0x3] =	wrdreg s6  }
0xb9: {  	[dreg:$0x4] =	wrdreg $0xC0  }
0xba: {  	_ =	task [dreg:s22], $0x5FFFF  }
0xbb: {  	[dreg:$0x1] =	wrdreg $0xFFFFFFFF  }
0xbc: {  	[dreg:$0x0] =	wrdreg $0x60  }
0xbd: {  	[dreg:$0x2] =	wrdreg s18  }
0xbe: {  	[dreg:$0x3] =	wrdreg s24  }
0xbf: {  	[dreg:$0x4] =	wrdreg $0x9  }
0xc0: {  	_ =	task.clear_ibuf [dreg:s22], $0x5FFFF;
	_ =	strace $0x90000049  }
0xc1: {  	s29 =	simm.s32 $0x9;
	_ =	strace $0x8000004B  }
0xc2: {  	_ =	swait.ge [sflag:s29], $0x1  }
0xc3: {  	[sflag:s29] =	ssyncadd.s32 $0xFFFFFFFF  }
0xc4: {  	_ =	strace $0x9000004B  }
0xc5: {  	_ =	sfence  }
0xc6: {  	s30 =	sld [smem:$0x0];
	_ =	sdelay $0x2  }
0xc7: {  	s31 =	sshll.u32 s1, $0xD;
	s1 =	sshrl.u32 s1, $0x2  }
0xc8: {  	s4 =	sand.u32 $0x4000, s31;
	s1 =	sadd.s32 s1, s30  }
0xc9: {  	s0 =	sor.u32 s4, s0;
	s1 =	sshll.u32 s1, $0x11  }
0xca: {  	s0 =	sor.u32 s1, s0  }
0xcb: {  	s0 =	sadd.s32 $0x8F2B, s0  }
0xcc: {  	[sflag:s0] =	ssyncadd.remote.s32 $0x1  }
0xcd: {  	_ =	sfence.sel $0xFFFF  }
0xce: {  	[dreg:$0x0] =	wrdreg $0xFFFFFFFF;
	(pc) =	sbr.abs _section_cstart, $3  }
0xcf: {  	[dreg:$0x1] =	wrdreg $0xFFFFFFFF  }
0xd0: {  	_ =	task.clear_ibuf [dreg:s22], $0x2FFFF;
	_ =	strace $0x9FFFFFFF  }
0xd1: {  	(tm) =	ssettm $0x7FFFFFFF  }
tec
execute0_lowered:
.L_overlay_start_1:
0x0: {  	(tag) =	ssettag $0x1  }
0x1: {  	s1 =	srdreg.scid;
	s0 =	stileid.u32  }
0x2: {  	s14 =	sand.u32 $0x1, s1;
	s29 =	sshll.u32 s0, $0x1  }
0x3: {  	s2 =	rddreg [dreg:$0x0];
	s15 =	sor.u32 s14, s29  }
0x4: {  	s16 =	rddreg [dreg:$0x1];
	s4 =	smul.u32 $0x38, s15  }
0x5: {  	s3 =	simm.s32 $0x0;
	s1 =	rddreg [dreg:$0x2]  }
0x6: {  	[smem:$0x7FF] =	sst s3;
	s4 =	sadd.s32 s4, s16  }
0x7: {  	_ =	strace $0x8000004A;
	s5 =	sadd.s32 $0x78A00, s4;
	s4 =	simm.s32 $0x2  }
0x8: {  	[tilespmem:s3], [sflag:$0x2] =	stream.linear.gather [hbm4b:s5+s3], $0x1C0, $0x38;
	[tilespmem:$0xE200] =	vst v63  }
0x9: {  	_ =	swait.ge [sflag:s4], $0x1C0  }
0xa: {  	[sflag:s4] =	ssyncset.done $0x0  }
0xb: {  	s6 =	simm.s32 $0x70;
	s7 =	simm.s32 $0x200;
	[sflag:s4] =	ssyncadd.s32 $0xFFFFFE40  }
0xc: {  	[tilespmem:s7], [sflag:$0x1] =	stream.indirect.gather [hbm4b:s2+s6], $0x80, s3, s6, $0xb8;
	[tilespmem:$0xE200] =	vst v63  }
0xd: {  	s8 =	simm.s32 $0x3A00  }
0xe: {  	[tilespmem:s8], [sflag:$0x1] =	stream.indirect.gather [hbm4b:s2+s6], $0x80, s6, s6, $0xb8;
	[tilespmem:$0xE200] =	vst v63  }
0xf: {  	s9 =	simm.s32 $0xE0;
	s10 =	simm.s32 $0x7200  }
0x10: {  	[tilespmem:s10], [sflag:$0x1] =	stream.indirect.gather [hbm4b:s2+s6], $0x80, s9, s6, $0xb8;
	[tilespmem:$0xE200] =	vst v63  }
0x11: {  	s11 =	simm.s32 $0x150;
	s12 =	simm.s32 $0xAA00;
	s13 =	simm.s32 $0x1  }
0x12: {  	[tilespmem:s12], [sflag:$0x1] =	stream.indirect.gather [hbm4b:s2+s6], $0x80, s11, s6, $0xb8;
	[tilespmem:$0xE200] =	vst v63  }
0x13: {  	_ =	swait.ge [sflag:s13], $0x3800  }
0x14: {  	[sflag:s13] =	ssyncset.done $0x0  }
0x15: {  	[sflag:s13] =	ssyncadd.s32 $0xFFFFC800  }
0x16: {  	_ =	swait.ge [sflag:s13], $0x3800  }
0x17: {  	[sflag:s13] =	ssyncset.done $0x0  }
0x18: {  	s14 =	ssub.s32 $0x2, s14;
	[sflag:s13] =	ssyncadd.s32 $0xFFFFC800  }
0x19: {  	s17 =	sshrl.u32 s14, $0x1;
	_ =	swait.ge [sflag:s13], $0x3800  }
0x1a: {  	s30 =	ssub.s32 s14, s17;
	[sflag:s13] =	ssyncset.done $0x0  }
0x1b: {  	s15 =	smul.u32 $0x1C00, s15;
	s31 =	smax.u32 s30, $0x1;
	[sflag:s13] =	ssyncadd.s32 $0xFFFFC800  }
0x1c: {  	p0 =	sne.s32 s31, $0x1;
	_ =	swait.ge [sflag:s13], $0x3800  }
.Ltmp0:
0x1d: {  	s15 =	sadd.s32 s15, s16;
	[sflag:s13] =	ssyncset.done $0x0;
	(pc) =	sbr.rel @!p0 .LBB2_2-.Ltmp0, $4  }
0x1e: {  	s14 =	sadd.s32 $0x79200, s15;
	[sflag:s13] =	ssyncadd.s32 $0xFFFFC800  }
0x1f: {  	[hbm4b:s14+s3] =	stream.linear.scatter [tilespmem:s7], [sflag:$0x2], $0xE000, $0x38;
	[tilespmem:$0xE200] =	vst v63  }
0x20: {  	_ =	swait.ge [sflag:s4], $0xE000  }
0x21: {  	s15 =	sadd.s32 $0xFFFFFFFF, s31;
	[sflag:s4] =	ssyncset.done $0x0  }
.LBB2_1:
0x22: {  	p0 =	sne.s32 s15, $0x1;
	s15 =	sadd.s32 $0xFFFFFFFF, s15;
	[sflag:s4] =	ssyncadd.s32 $0xFFFF2000  }
0x23: {  	[tilespmem:s3], [sflag:$0x2] =	stream.linear.gather [hbm4b:s5+s3], $0x1C0, $0x38;
	[tilespmem:$0xE200] =	vst v63  }
0x24: {  	_ =	swait.ge [sflag:s4], $0x1C0  }
0x25: {  	[sflag:s4] =	ssyncset.done $0x0  }
0x26: {  	[sflag:s4] =	ssyncadd.s32 $0xFFFFFE40  }
0x27: {  	[tilespmem:s7], [sflag:$0x1] =	stream.indirect.gather [hbm4b:s2+s6], $0x80, s3, s6, $0xb8;
	[tilespmem:$0xE200] =	vst v63  }
0x28: {  	_ = 	snop  }
0x29: {  	[tilespmem:s8], [sflag:$0x1] =	stream.indirect.gather [hbm4b:s2+s6], $0x80, s6, s6, $0xb8;
	[tilespmem:$0xE200] =	vst v63  }
0x2a: {  	_ = 	snop  }
0x2b: {  	[tilespmem:s10], [sflag:$0x1] =	stream.indirect.gather [hbm4b:s2+s6], $0x80, s9, s6, $0xb8;
	[tilespmem:$0xE200] =	vst v63  }
0x2c: {  	_ = 	snop  }
0x2d: {  	[tilespmem:s12], [sflag:$0x1] =	stream.indirect.gather [hbm4b:s2+s6], $0x80, s11, s6, $0xb8;
	[tilespmem:$0xE200] =	vst v63  }
0x2e: {  	_ =	swait.ge [sflag:s13], $0x3800  }
0x2f: {  	[sflag:s13] =	ssyncset.done $0x0  }
0x30: {  	[sflag:s13] =	ssyncadd.s32 $0xFFFFC800  }
0x31: {  	_ =	swait.ge [sflag:s13], $0x3800  }
0x32: {  	[sflag:s13] =	ssyncset.done $0x0  }
0x33: {  	[sflag:s13] =	ssyncadd.s32 $0xFFFFC800  }
0x34: {  	_ =	swait.ge [sflag:s13], $0x3800  }
0x35: {  	[sflag:s13] =	ssyncset.done $0x0  }
0x36: {  	[sflag:s13] =	ssyncadd.s32 $0xFFFFC800  }
0x37: {  	_ =	swait.ge [sflag:s13], $0x3800  }
.Ltmp1:
0x38: {  	[sflag:s13] =	ssyncset.done $0x0;
	(pc) =	sbr.rel @p0 .LBB2_1-.Ltmp1, $4  }
0x39: {  	[sflag:s13] =	ssyncadd.s32 $0xFFFFC800  }
0x3a: {  	[hbm4b:s14+s3] =	stream.linear.scatter [tilespmem:s7], [sflag:$0x2], $0xE000, $0x38;
	[tilespmem:$0xE200] =	vst v63  }
0x3b: {  	_ =	swait.ge [sflag:s4], $0xE000  }
0x3c: {  	[sflag:s4] =	ssyncset.done $0x0  }
.LBB2_2:
0x3d: {  	[sflag:s4] =	ssyncadd.s32 $0xFFFF2000  }
0x3e: {  	_ =	sfence.sel $0x180000  }
0x3f: {  	[bflag:$0x0] =	sbarrier.arrive $0xFFFF  }
0x40: {  	p0 =	sne.s32 s0, $0x0;
	_ =	strace $0x9000004A  }
0x41: {  	s0 =	sadd.s32 @!p0 $0x100000, s1;
	[bflag:$0x2] =	sbarrier.arrive $0xFFFF  }
0x42: {  	[sflag:s0] =	ssyncadd.tile.s32 @!p0 $0x1;
	_ =	shalt  }
.Lfunc_end2:
_tile_overlayer_lowered:
.L_overlay_start_2:
0x43: {  	(tag) =	ssettag $0x2  }
0x44: {  	s0 =	rddreg [dreg:$0x0];
	s2 =	stileid.u32  }
0x45: {  	s1 =	rddreg [dreg:$0x1];
	p0 =	sne.s32 s2, $0x0  }
0x46: {  	s3 =	rddreg [dreg:$0x2];
	[bflag:$0x3] =	sbarrier.arrive $0xFFFF;
	s2 =	simm.s32 @!p0 $0x1C02  }
0x47: {  	[timem:s3], [sflag:s2] =	dma.local @!p0 [hbm:s0], s1  }
0x48: {  	s0 =	simm.s32 @!p0 $0x2  }
0x49: {  	_ =	swait.ge @!p0 [sflag:s0], s1  }
0x4a: {  	s1 =	ssub.s32 @!p0 $0x0, s1;
	[sflag:s0] =	ssyncset.done @!p0 $0x0  }
0x4b: {  	[sflag:s0] =	ssyncadd.s32 @!p0 s1  }
0x4c: {  	[bflag:$0x3] =	sbarrier.arrive $0xFFFF  }
0x4d: {  	_ =	shalt  }

// kernel: kernel.8.cloned.1.call-start
scs
__scs_entry_jumppad:
0x0: {  	(pc) =	sbr.rel $0x88, $3  }
0x1: {  	(tag) =	ssettag $0x0;
	lr =	simm.s32 $0x1  }
0x2: {  	[smem:$0x3F66] =	sst lr;
	_ =	strace $0xD0000000  }
0x3: {  	_ = 	snop  }
0x4: {  	_ = 	snop  }
0x5: {  	_ = 	snop  }
0x6: {  	_ = 	snop  }
0x7: {  	_ = 	snop  }
__scs_overlays_trampoline_lowered:
0x8: {  	[smem:$0x3F75] =	sst s0  }
0x9: {  	[smem:$0x3F76] =	sst s1  }
0xa: {  	[smem:$0x3F77] =	sst s2  }
0xb: {  	[smem:$0x3F78] =	sst s3  }
0xc: {  	[smem:$0x3F79] =	sst s4  }
0xd: {  	[smem:$0x3F7A] =	sst s5  }
0xe: {  	[smem:$0x3F7B] =	sst s6  }
0xf: {  	[smem:$0x3F7C] =	sst s7  }
0x10: {  	[smem:$0x3F7D] =	sst s8  }
0x11: {  	[smem:$0x3F7E] =	sst s9;
	s0 =	simm.s32 @!p0 $0x0  }
0x12: {  	s1 =	sld [smem:$0x3F64];
	s0 =	simm.s32 @p0 $0x1  }
0x13: {  	[smem:$0x3F7F] =	sst s0;
	s0 =	simm.s32 @!p1 $0x0  }
0x14: {  	s2 =	sld [smem:$0x3F63];
	s0 =	simm.s32 @p1 $0x1  }
0x15: {  	[smem:$0x3F80] =	sst s0;
	s0 =	simm.s32 @!p2 $0x0  }
0x16: {  	s3 =	sld [smem:$0x3FDB];
	s0 =	simm.s32 @p2 $0x1  }
0x17: {  	s4 =	simm.s32 $0x1BF5;
	[smem:$0x3F82] =	sst s0  }
0x18: {  	s0 =	sld [smem:$0x3F65];
	_ =	swait.ge [sflag:s4], $0x0  }
0x19: {  	s7 =	sld [smem:$0x3F66]  }
0x1a: {  	s8 =	sadd.s32 $0xFFFFE003, lr  }
0x1b: {  	s9 =	sadd.s32 $0xFFFFFEF7, lr;
	s5 =	simm.s32 $0xFFFFFFFF;
	p2 =	slt.u32 s8, $0xFFFFF086  }
0x1c: {  	p1 =	slt.u32 s9, $0xF7A;
	s5 =	simm.s32 @!p2 $0x0  }
0x1d: {  	s5 =	simm.s32 @p1 $0x1;
	p0 =	seq.s32 s7, s2  }
0x1e: {  	s7 =	smul.u32 @!p0 $0xF7A, s2;
	p2 =	seq.s32 @!p0 s5, $0x0  }
0x1f: {  	s9 =	smul.u32 $0xF7A, s1;
	s8 =	simm.s32 @!p0 $0x1BF5;
	p2 =	por !p2, p0  }
0x20: {  	[sflag:s8] =	ssyncset.s32 @!p0 $0xFFFFF086;
	s6 =	sadd.s32 @!p0 s3, s7;
	s7 =	simm.s32 @!p0 $0x108  }
0x21: {  	s3 =	sadd.s32 s3, s9;
	s6 =	sadd.s32 @!p0 $0x88, s6;
	s7 =	simm.s32 @p2 $0x1082  }
0x22: {  	[simem:s7], [sflag:s8] =	dma.local @!p0 [hbm:s6], $0xF7A  }
0x23: {  	s9 =	sor.u32 $0xD0000000, s2;
	s6 =	simm.s32 $0x108;
	_ =	swait.ge @!p0 [sflag:s8], $0x0  }
0x24: {  	s3 =	sadd.s32 $0x88, s3;
	s6 =	simm.s32 @!p1 $0x1082;
	[sflag:s4] =	ssyncset.s32 $0xFFFFF086  }
0x25: {  	[simem:s6], [sflag:s4] =	dma.local [hbm:s3], $0xF7A  }
0x26: {  	[smem:$0x3F66] =	sst s1;
	(tag) =	ssettag s2;
	_ =	strace s9  }
0x27: {  	s1 =	sld [smem:$0x3F76]  }
0x28: {  	s2 =	sld [smem:$0x3F77]  }
0x29: {  	s4 =	sld [smem:$0x3F79]  }
0x2a: {  	p0 =	seq.s32 s5, $0x0;
	s5 =	sld [smem:$0x3F7A]  }
0x2b: {  	s6 =	sld [smem:$0x3F7B]  }
0x2c: {  	s7 =	sld [smem:$0x3F7C]  }
0x2d: {  	s3 =	simm.s32 $0x108;
	s8 =	sld [smem:$0x3F7D]  }
0x2e: {  	s3 =	simm.s32 @!p0 $0x1082;
	s9 =	sld [smem:$0x3F7E]  }
0x2f: {  	lr =	sadd.s32 s0, s3;
	s0 =	sld [smem:$0x3F75]  }
0x30: {  	s3 =	sld [smem:$0x3F78]  }
0x31: {  	[smem:$0x3F81] =	sst s10  }
0x32: {  	s10 =	sld [smem:$0x3F7F];
	_ =	sdelay $0x3  }
0x33: {  	p0 =	seq.s32 s10, $0x1;
	s10 =	sld [smem:$0x3F81];
	_ =	sdelay $0x3  }
0x34: {  	[smem:$0x3F81] =	sst s10  }
0x35: {  	s10 =	sld [smem:$0x3F80];
	_ =	sdelay $0x3  }
0x36: {  	p1 =	seq.s32 s10, $0x1;
	s10 =	sld [smem:$0x3F81];
	_ =	sdelay $0x3  }
0x37: {  	[smem:$0x3F81] =	sst s10  }
0x38: {  	s10 =	sld [smem:$0x3F82]  }
0x39: {  	_ = 	snop;
	(pc) =	sbr.ind lr, $3  }
0x3a: {  	_ = 	snop  }
0x3b: {  	_ = 	snop  }
0x3c: {  	p2 =	seq.s32 s10, $0x1;
	s10 =	sld [smem:$0x3F81]  }
0x3d: {  	_ =	shalt  }
0x3e: {  	_ =	shalt  }
0x3f: {  	_ =	shalt  }
0x40: {  	_ =	shalt  }
0x41: {  	_ =	shalt  }
0x42: {  	_ =	shalt  }
0x43: {  	_ =	shalt  }
0x44: {  	_ =	shalt  }
0x45: {  	_ =	shalt  }
0x46: {  	_ =	shalt  }
0x47: {  	_ =	shalt  }
0x48: {  	_ =	shalt  }
0x49: {  	_ =	shalt  }
0x4a: {  	_ =	shalt  }
0x4b: {  	_ =	shalt  }
0x4c: {  	_ =	shalt  }
0x4d: {  	_ =	shalt  }
0x4e: {  	_ =	shalt  }
0x4f: {  	_ =	shalt  }
0x50: {  	_ =	shalt  }
0x51: {  	_ =	shalt  }
0x52: {  	_ =	shalt  }
0x53: {  	_ =	shalt  }
0x54: {  	_ =	shalt  }
0x55: {  	_ =	shalt  }
0x56: {  	_ =	shalt  }
0x57: {  	_ =	shalt  }
0x58: {  	_ =	shalt  }
0x59: {  	_ =	shalt  }
0x5a: {  	_ =	shalt  }
0x5b: {  	_ =	shalt  }
0x5c: {  	_ =	shalt  }
0x5d: {  	_ =	shalt  }
0x5e: {  	_ =	shalt  }
0x5f: {  	_ =	shalt  }
0x60: {  	_ =	shalt  }
0x61: {  	_ =	shalt  }
0x62: {  	_ =	shalt  }
0x63: {  	_ =	shalt  }
0x64: {  	_ =	shalt  }
0x65: {  	_ =	shalt  }
0x66: {  	_ =	shalt  }
0x67: {  	_ =	shalt  }
0x68: {  	_ =	shalt  }
0x69: {  	_ =	shalt  }
0x6a: {  	_ =	shalt  }
0x6b: {  	_ =	shalt  }
0x6c: {  	_ =	shalt  }
0x6d: {  	_ =	shalt  }
0x6e: {  	_ =	shalt  }
0x6f: {  	_ =	shalt  }
0x70: {  	_ =	shalt  }
0x71: {  	_ =	shalt  }
0x72: {  	_ =	shalt  }
0x73: {  	_ =	shalt  }
0x74: {  	_ =	shalt  }
0x75: {  	_ =	shalt  }
0x76: {  	_ =	shalt  }
0x77: {  	_ =	shalt  }
0x78: {  	_ =	shalt  }
0x79: {  	_ =	shalt  }
0x7a: {  	_ =	shalt  }
0x7b: {  	_ =	shalt  }
0x7c: {  	_ =	shalt  }
0x7d: {  	_ =	shalt  }
0x7e: {  	_ =	shalt  }
0x7f: {  	_ =	shalt  }
0x80: {  	_ =	shalt  }
0x81: {  	_ =	shalt  }
0x82: {  	_ =	shalt  }
0x83: {  	_ =	shalt  }
0x84: {  	_ =	shalt  }
0x85: {  	_ =	shalt  }
0x86: {  	_ =	shalt  }
0x87: {  	_ =	shalt  }
.Lfunc_end0:
.L_simem_size_0:
called_computation.1_lowered:
.L_overlay_start_0:
0x88: {  	s2 =	sld [smem:$0x3FD9]  }
0x89: {  	s3 =	sld [smem:$0x3FFE];
	_ =	sdelay $0x1  }
0x8a: {  	s1 =	srdreg.scid  }
0x8b: {  	s0 =	sand.u32 $0x1, s1  }
0x8c: {  	s17 =	sshll.u32 s0, $0xA;
	s2 =	sadd.s32 s3, s2  }
0x8d: {  	s2 =	sadd.s32 s2, s17  }
0x8e: {  	[smem:$0x3F8D] =	sst s2  }
0x8f: {  	_ = 	snop  }
0x90: {  	s2 =	sld [smem:$0x3F90];
	(tm) =	ssettm $0x1  }
0x91: {  	s18 =	sld [smem:$0x3FFB];
	_ =	sdelay $0x3  }
0x92: {  	_ =	strace s18  }
0x93: {  	s3 =	sld [smem:$0x3FFC];
	_ =	sdelay $0x3  }
0x94: {  	_ =	strace s3  }
0x95: {  	s3 =	sld [smem:$0x3FFD];
	_ =	sdelay $0x3  }
0x96: {  	_ =	strace s3  }
0x97: {  	_ =	strace $0x8FFFFFFF  }
0x98: {  	s19 =	sld [smem:$0x3FDB];
	_ =	sdelay $0x1  }
0x99: {  	s4 =	simm.s32 $_scs_section_size  }
0x9a: {  	s5 =	simm.s32 $_size__tile_overlayer_lowered;
	s6 =	simm.s32 $_tile_overlayer_lowered  }
0x9b: {  	s22 =	simm.s32 $0x1BFF;
	s21 =	sshll.u32 s6, $0x1;
	s3 =	sadd.s32 s4, s19  }
0x9c: {  	s7 =	simm.s32 $0x0;
	s20 =	sshll.u32 s5, $0x1;
	s5 =	sadd.s32 s21, s3  }
0x9d: {  	[timem:s7], [sflag:s22] =	dma.local [hbm:s5], s20  }
0x9e: {  	_ =	swait.ge [sflag:s22], s20  }
0x9f: {  	s4 =	ssub.s32 $0x0, s20;
	[sflag:s22] =	ssyncset.done $0x0  }
0xa0: {  	[sflag:s22] =	ssyncadd.s32 s4;
	_ =	sdelay $0x1  }
0xa1: {  	s23 =	simm.s32 $0x1B8B  }
0xa2: {  	_ =	swait.ge [sflag:s23], $0x1  }
0xa3: {  	[sflag:s23] =	ssyncset.done $0x0  }
0xa4: {  	s25 =	simm.s32 $0x1B8E;
	s24 =	sld [smem:$0x3FFE];
	[sflag:s23] =	ssyncadd.s32 $0xFFFFFFFF  }
0xa5: {  	s26 =	simm.s32 $execute0_lowered;
	[smem:$0x3FD2] =	sst s25  }
0xa6: {  	s5 =	sshll.u32 s26, $0x1;
	_ =	strace $0x80000046;
	[dreg:$0x1] =	wrdreg $0xFFFFFFFF  }
0xa7: {  	s28 =	simm.s32 $_size_execute0_lowered;
	s3 =	sadd.s32 s3, s5;
	[dreg:$0x0] =	wrdreg $0x0  }
0xa8: {  	s5 =	sshll.u32 s28, $0x1;
	[dreg:$0x2] =	wrdreg s3  }
0xa9: {  	[dreg:$0x3] =	wrdreg s5  }
0xaa: {  	[dreg:$0x4] =	wrdreg $0xC0  }
0xab: {  	_ =	task [dreg:s7], $0x5FFFF  }
0xac: {  	[dreg:$0x1] =	wrdreg $0xFFFFFFFF  }
0xad: {  	[dreg:$0x0] =	wrdreg $0x60  }
0xae: {  	[dreg:$0x2] =	wrdreg s2  }
0xaf: {  	[dreg:$0x3] =	wrdreg s24  }
0xb0: {  	[dreg:$0x4] =	wrdreg $0xA  }
0xb1: {  	_ =	task.clear_ibuf [dreg:s7], $0x5FFFF;
	_ =	strace $0x90000046  }
0xb2: {  	s29 =	simm.s32 $0xA;
	_ =	strace $0x80000048  }
0xb3: {  	_ =	swait.ge [sflag:s29], $0x1  }
0xb4: {  	[sflag:s29] =	ssyncadd.s32 $0xFFFFFFFF  }
0xb5: {  	_ =	strace $0x90000048  }
0xb6: {  	_ =	sfence  }
0xb7: {  	s30 =	sld [smem:$0x0];
	_ =	sdelay $0x2  }
0xb8: {  	s31 =	sshll.u32 s1, $0xD;
	s1 =	sshrl.u32 s1, $0x2  }
0xb9: {  	s3 =	sand.u32 $0x4000, s31;
	s1 =	sadd.s32 s1, s30  }
0xba: {  	s0 =	sor.u32 s3, s0;
	s1 =	sshll.u32 s1, $0x11  }
0xbb: {  	s0 =	sor.u32 s1, s0  }
0xbc: {  	s0 =	sadd.s32 $0x8F2B, s0  }
0xbd: {  	[sflag:s0] =	ssyncadd.remote.s32 $0x1  }
0xbe: {  	_ =	sfence.sel $0xFFFF  }
0xbf: {  	[dreg:$0x0] =	wrdreg $0xFFFFFFFF;
	(pc) =	sbr.abs _section_cstart, $3  }
0xc0: {  	[dreg:$0x1] =	wrdreg $0xFFFFFFFF  }
0xc1: {  	_ =	task.clear_ibuf [dreg:s7], $0x2FFFF;
	_ =	strace $0x9FFFFFFF  }
0xc2: {  	(tm) =	ssettm $0x7FFFFFFF  }
0xc3: {  	_ =	shalt  }
tec
execute0_lowered:
.L_overlay_start_1:
0x0: {  	(tag) =	ssettag $0x1  }
0x1: {  	s1 =	srdreg.scid;
	s0 =	stileid.u32  }
0x2: {  	s22 =	sand.u32 $0x1, s1;
	s29 =	sshll.u32 s0, $0x1  }
0x3: {  	s2 =	rddreg [dreg:$0x0];
	s23 =	sor.u32 s22, s29  }
0x4: {  	s24 =	rddreg [dreg:$0x1];
	s4 =	smul.u32 $0x70, s23  }
0x5: {  	s3 =	simm.s32 $0x0;
	s1 =	rddreg [dreg:$0x2]  }
0x6: {  	[smem:$0x7FF] =	sst s3;
	s4 =	sadd.s32 s4, s24  }
0x7: {  	_ =	strace $0x80000047;
	s5 =	sadd.s32 $0x7C00, s4;
	s4 =	simm.s32 $0x2  }
0x8: {  	[tilespmem:s3], [sflag:$0x2] =	stream.linear.gather [hbm4b:s5+s3], $0x380, $0x38;
	[tilespmem:$0x1C380] =	vst v63  }
0x9: {  	_ =	swait.ge [sflag:s4], $0x380  }
0xa: {  	[sflag:s4] =	ssyncset.done $0x0  }
0xb: {  	s6 =	simm.s32 $0x70;
	s7 =	simm.s32 $0x380;
	[sflag:s4] =	ssyncadd.s32 $0xFFFFFC80  }
0xc: {  	[tilespmem:s7], [sflag:$0x1] =	stream.indirect.gather [hbm4b:s2+s6], $0x80, s3, s6, $0xb8;
	[tilespmem:$0x1C380] =	vst v63  }
0xd: {  	s8 =	simm.s32 $0x3B80  }
0xe: {  	[tilespmem:s8], [sflag:$0x1] =	stream.indirect.gather [hbm4b:s2+s6], $0x80, s6, s6, $0xb8;
	[tilespmem:$0x1C380] =	vst v63  }
0xf: {  	s9 =	simm.s32 $0xE0;
	s10 =	simm.s32 $0x7380  }
0x10: {  	[tilespmem:s10], [sflag:$0x1] =	stream.indirect.gather [hbm4b:s2+s6], $0x80, s9, s6, $0xb8;
	[tilespmem:$0x1C380] =	vst v63  }
0x11: {  	s11 =	simm.s32 $0x150;
	s12 =	simm.s32 $0xAB80  }
0x12: {  	[tilespmem:s12], [sflag:$0x1] =	stream.indirect.gather [hbm4b:s2+s6], $0x80, s11, s6, $0xb8;
	[tilespmem:$0x1C380] =	vst v63  }
0x13: {  	s13 =	simm.s32 $0x1C0;
	s14 =	simm.s32 $0xE380  }
0x14: {  	[tilespmem:s14], [sflag:$0x1] =	stream.indirect.gather [hbm4b:s2+s6], $0x80, s13, s6, $0xb8;
	[tilespmem:$0x1C380] =	vst v63  }
0x15: {  	s15 =	simm.s32 $0x230;
	s16 =	simm.s32 $0x11B80  }
0x16: {  	[tilespmem:s16], [sflag:$0x1] =	stream.indirect.gather [hbm4b:s2+s6], $0x80, s15, s6, $0xb8;
	[tilespmem:$0x1C380] =	vst v63  }
0x17: {  	s17 =	simm.s32 $0x2A0;
	s18 =	simm.s32 $0x15380  }
0x18: {  	[tilespmem:s18], [sflag:$0x1] =	stream.indirect.gather [hbm4b:s2+s6], $0x80, s17, s6, $0xb8;
	[tilespmem:$0x1C380] =	vst v63  }
0x19: {  	s19 =	simm.s32 $0x310;
	s20 =	simm.s32 $0x18B80;
	s21 =	simm.s32 $0x1  }
0x1a: {  	[tilespmem:s20], [sflag:$0x1] =	stream.indirect.gather [hbm4b:s2+s6], $0x80, s19, s6, $0xb8;
	[tilespmem:$0x1C380] =	vst v63  }
0x1b: {  	_ =	swait.ge [sflag:s21], $0x3800  }
0x1c: {  	[sflag:s21] =	ssyncset.done $0x0  }
0x1d: {  	[sflag:s21] =	ssyncadd.s32 $0xFFFFC800  }
0x1e: {  	_ =	swait.ge [sflag:s21], $0x3800  }
0x1f: {  	[sflag:s21] =	ssyncset.done $0x0  }
0x20: {  	[sflag:s21] =	ssyncadd.s32 $0xFFFFC800  }
0x21: {  	_ =	swait.ge [sflag:s21], $0x3800  }
0x22: {  	[sflag:s21] =	ssyncset.done $0x0  }
0x23: {  	[sflag:s21] =	ssyncadd.s32 $0xFFFFC800  }
0x24: {  	_ =	swait.ge [sflag:s21], $0x3800  }
0x25: {  	[sflag:s21] =	ssyncset.done $0x0  }
0x26: {  	[sflag:s21] =	ssyncadd.s32 $0xFFFFC800  }
0x27: {  	_ =	swait.ge [sflag:s21], $0x3800  }
0x28: {  	[sflag:s21] =	ssyncset.done $0x0  }
0x29: {  	[sflag:s21] =	ssyncadd.s32 $0xFFFFC800  }
0x2a: {  	_ =	swait.ge [sflag:s21], $0x3800  }
0x2b: {  	[sflag:s21] =	ssyncset.done $0x0  }
0x2c: {  	s22 =	ssub.s32 $0x2, s22;
	[sflag:s21] =	ssyncadd.s32 $0xFFFFC800  }
0x2d: {  	s25 =	sshrl.u32 s22, $0x1;
	_ =	swait.ge [sflag:s21], $0x3800  }
0x2e: {  	s30 =	ssub.s32 s22, s25;
	[sflag:s21] =	ssyncset.done $0x0  }
0x2f: {  	s23 =	smul.u32 $0x3800, s23;
	s31 =	smax.u32 s30, $0x1;
	[sflag:s21] =	ssyncadd.s32 $0xFFFFC800  }
0x30: {  	p0 =	sne.s32 s31, $0x1;
	_ =	swait.ge [sflag:s21], $0x3800  }
.Ltmp0:
0x31: {  	s23 =	sadd.s32 s23, s24;
	[sflag:s21] =	ssyncset.done $0x0;
	(pc) =	sbr.rel @!p0 .LBB2_2-.Ltmp0, $4  }
0x32: {  	s22 =	sadd.s32 $0x8A00, s23;
	[sflag:s21] =	ssyncadd.s32 $0xFFFFC800  }
0x33: {  	[hbm4b:s22+s3] =	stream.linear.scatter [tilespmem:s7], [sflag:$0x2], $0x1C000, $0x38;
	[tilespmem:$0x1C380] =	vst v63  }
0x34: {  	_ =	swait.ge [sflag:s4], $0x1C000  }
0x35: {  	s23 =	sadd.s32 $0xFFFFFFFF, s31;
	[sflag:s4] =	ssyncset.done $0x0  }
.LBB2_1:
0x36: {  	p0 =	sne.s32 s23, $0x1;
	s23 =	sadd.s32 $0xFFFFFFFF, s23;
	[sflag:s4] =	ssyncadd.s32 $0xFFFE4000  }
0x37: {  	[tilespmem:s3], [sflag:$0x2] =	stream.linear.gather [hbm4b:s5+s3], $0x380, $0x38;
	[tilespmem:$0x1C380] =	vst v63  }
0x38: {  	_ =	swait.ge [sflag:s4], $0x380  }
0x39: {  	[sflag:s4] =	ssyncset.done $0x0  }
0x3a: {  	[sflag:s4] =	ssyncadd.s32 $0xFFFFFC80  }
0x3b: {  	[tilespmem:s7], [sflag:$0x1] =	stream.indirect.gather [hbm4b:s2+s6], $0x80, s3, s6, $0xb8;
	[tilespmem:$0x1C380] =	vst v63  }
0x3c: {  	_ = 	snop  }
0x3d: {  	[tilespmem:s8], [sflag:$0x1] =	stream.indirect.gather [hbm4b:s2+s6], $0x80, s6, s6, $0xb8;
	[tilespmem:$0x1C380] =	vst v63  }
0x3e: {  	_ = 	snop  }
0x3f: {  	[tilespmem:s10], [sflag:$0x1] =	stream.indirect.gather [hbm4b:s2+s6], $0x80, s9, s6, $0xb8;
	[tilespmem:$0x1C380] =	vst v63  }
0x40: {  	_ = 	snop  }
0x41: {  	[tilespmem:s12], [sflag:$0x1] =	stream.indirect.gather [hbm4b:s2+s6], $0x80, s11, s6, $0xb8;
	[tilespmem:$0x1C380] =	vst v63  }
0x42: {  	_ = 	snop  }
0x43: {  	[tilespmem:s14], [sflag:$0x1] =	stream.indirect.gather [hbm4b:s2+s6], $0x80, s13, s6, $0xb8;
	[tilespmem:$0x1C380] =	vst v63  }
0x44: {  	_ = 	snop  }
0x45: {  	[tilespmem:s16], [sflag:$0x1] =	stream.indirect.gather [hbm4b:s2+s6], $0x80, s15, s6, $0xb8;
	[tilespmem:$0x1C380] =	vst v63  }
0x46: {  	_ = 	snop  }
0x47: {  	[tilespmem:s18], [sflag:$0x1] =	stream.indirect.gather [hbm4b:s2+s6], $0x80, s17, s6, $0xb8;
	[tilespmem:$0x1C380] =	vst v63  }
0x48: {  	_ = 	snop  }
0x49: {  	[tilespmem:s20], [sflag:$0x1] =	stream.indirect.gather [hbm4b:s2+s6], $0x80, s19, s6, $0xb8;
	[tilespmem:$0x1C380] =	vst v63  }
0x4a: {  	_ =	swait.ge [sflag:s21], $0x3800  }
0x4b: {  	[sflag:s21] =	ssyncset.done $0x0  }
0x4c: {  	[sflag:s21] =	ssyncadd.s32 $0xFFFFC800  }
0x4d: {  	_ =	swait.ge [sflag:s21], $0x3800  }
0x4e: {  	[sflag:s21] =	ssyncset.done $0x0  }
0x4f: {  	[sflag:s21] =	ssyncadd.s32 $0xFFFFC800  }
0x50: {  	_ =	swait.ge [sflag:s21], $0x3800  }
0x51: {  	[sflag:s21] =	ssyncset.done $0x0  }
0x52: {  	[sflag:s21] =	ssyncadd.s32 $0xFFFFC800  }
0x53: {  	_ =	swait.ge [sflag:s21], $0x3800  }
0x54: {  	[sflag:s21] =	ssyncset.done $0x0  }
0x55: {  	[sflag:s21] =	ssyncadd.s32 $0xFFFFC800  }
0x56: {  	_ =	swait.ge [sflag:s21], $0x3800  }
0x57: {  	[sflag:s21] =	ssyncset.done $0x0  }
0x58: {  	[sflag:s21] =	ssyncadd.s32 $0xFFFFC800  }
0x59: {  	_ =	swait.ge [sflag:s21], $0x3800  }
0x5a: {  	[sflag:s21] =	ssyncset.done $0x0  }
0x5b: {  	[sflag:s21] =	ssyncadd.s32 $0xFFFFC800  }
0x5c: {  	_ =	swait.ge [sflag:s21], $0x3800  }
0x5d: {  	[sflag:s21] =	ssyncset.done $0x0  }
0x5e: {  	[sflag:s21] =	ssyncadd.s32 $0xFFFFC800  }
0x5f: {  	_ =	swait.ge [sflag:s21], $0x3800  }
.Ltmp1:
0x60: {  	[sflag:s21] =	ssyncset.done $0x0;
	(pc) =	sbr.rel @p0 .LBB2_1-.Ltmp1, $4  }
0x61: {  	[sflag:s21] =	ssyncadd.s32 $0xFFFFC800  }
0x62: {  	[hbm4b:s22+s3] =	stream.linear.scatter [tilespmem:s7], [sflag:$0x2], $0x1C000, $0x38;
	[tilespmem:$0x1C380] =	vst v63  }
0x63: {  	_ =	swait.ge [sflag:s4], $0x1C000  }
0x64: {  	[sflag:s4] =	ssyncset.done $0x0  }
.LBB2_2:
0x65: {  	[sflag:s4] =	ssyncadd.s32 $0xFFFE4000  }
0x66: {  	_ =	sfence.sel $0x180000  }
0x67: {  	[bflag:$0x0] =	sbarrier.arrive $0xFFFF  }
0x68: {  	p0 =	sne.s32 s0, $0x0;
	_ =	strace $0x90000047  }
0x69: {  	s0 =	sadd.s32 @!p0 $0x100000, s1;
	[bflag:$0x2] =	sbarrier.arrive $0xFFFF  }
0x6a: {  	[sflag:s0] =	ssyncadd.tile.s32 @!p0 $0x1;
	_ =	shalt  }
.Lfunc_end2:
_tile_overlayer_lowered:
.L_overlay_start_2:
0x6b: {  	(tag) =	ssettag $0x2  }
0x6c: {  	s0 =	rddreg [dreg:$0x0];
	s2 =	stileid.u32  }
0x6d: {  	s1 =	rddreg [dreg:$0x1];
	p0 =	sne.s32 s2, $0x0  }
0x6e: {  	s3 =	rddreg [dreg:$0x2];
	[bflag:$0x3] =	sbarrier.arrive $0xFFFF;
	s2 =	simm.s32 @!p0 $0x1C02  }
0x6f: {  	[timem:s3], [sflag:s2] =	dma.local @!p0 [hbm:s0], s1  }
0x70: {  	s0 =	simm.s32 @!p0 $0x2  }
0x71: {  	_ =	swait.ge @!p0 [sflag:s0], s1  }
0x72: {  	s1 =	ssub.s32 @!p0 $0x0, s1;
	[sflag:s0] =	ssyncset.done @!p0 $0x0  }
0x73: {  	[sflag:s0] =	ssyncadd.s32 @!p0 s1  }
0x74: {  	[bflag:$0x3] =	sbarrier.arrive $0xFFFF  }
0x75: {  	_ =	shalt  }

</sc_bundles>
